<compile_context>
chip_gen: v7x
topology: tpu7x:2x2x1
jax: 0.10.2.dev20260603
libtpu: 0.0.44.dev20260713+nightly
codegen_flags: <defaults>
</compile_context>

<pallas_src>
import jax
import jax.numpy as jnp
from jax import lax
from jax.experimental import pallas as pl
from jax.experimental.pallas import tpu as pltpu
from jax.experimental.pallas import tpu_sc as plsc

NUM_TOKENS = 32768
HID = 32
NE = 4
TOPK = 2

NC = 2
NS = 16
L = 16
NW = NC * NS
CHUNK = NUM_TOKENS // NW
GROUPS = CHUNK // L

_mesh = plsc.VectorSubcoreMesh(
    core_axis_name="c", subcore_axis_name="s", num_cores=NC, num_subcores=NS
)

_OUT_TYPE = (
    jax.ShapeDtypeStruct((NE, NUM_TOKENS), jnp.float32),
    jax.ShapeDtypeStruct((TOPK, NUM_TOKENS), jnp.float32),
    jax.ShapeDtypeStruct((TOPK, NUM_TOKENS), jnp.int32),
)
_SCRATCH = [
    pltpu.VMEM((HID, CHUNK), jnp.float32),
    pltpu.VMEM((NE, HID), jnp.float32),
    pltpu.VMEM((NE, CHUNK), jnp.float32),
    pltpu.VMEM((TOPK, CHUNK), jnp.float32),
    pltpu.VMEM((TOPK, CHUNK), jnp.int32),
]


def _rtne_bf16(v):
    b = plsc.bitcast(v, jnp.int32)
    b = (b + 0x7FFF + ((b >> 16) & 1)) & jnp.int32(-65536)
    return plsc.bitcast(b, jnp.float32)


def _tree_sum(vs):
    while len(vs) > 1:
        vs = [vs[i] + vs[i + 1] for i in range(0, len(vs) - 1, 2)] + (
            [vs[-1]] if len(vs) % 2 else []
        )
    return vs[0]


def _router_body(xt_hbm, w_hbm, pt_hbm, tvt_hbm, tit_hbm, x_v, w_v, p_v, tv_v, ti_v):
    wid = lax.axis_index("s") * NC + lax.axis_index("c")
    base = wid * CHUNK

    pltpu.sync_copy(w_hbm, w_v)
    pltpu.sync_copy(xt_hbm.at[:, pl.ds(base, CHUNK)], x_v)

    w = []
    for e in range(NE):
        halves = [
            _rtne_bf16(w_v[e, pl.ds(0, L)]),
            _rtne_bf16(w_v[e, pl.ds(L, L)]),
        ]
        w.append([halves[d // L][d % L] for d in range(HID)])

    def body(g, carry):
        sl = pl.ds(g * L, L)
        cols = [_rtne_bf16(x_v[d, sl]) for d in range(HID)]

        logits = [_tree_sum([cols[d] * w[e][d] for d in range(HID)]) for e in range(NE)]

        m = jnp.maximum(
            jnp.maximum(logits[0], logits[1]), jnp.maximum(logits[2], logits[3])
        )
        ex = [jnp.exp(a - m) for a in logits]
        r = 1.0 / _tree_sum(list(ex))
        p = [e_ * r for e_ in ex]

        for e in range(NE):
            p_v[e, sl] = p[e]

        b1l, b1v, b1i = logits[0], p[0], jnp.zeros((L,), jnp.int32)
        for e in range(1, NE):
            gt = logits[e] > b1l
            b1l = jnp.where(gt, logits[e], b1l)
            b1v = jnp.where(gt, p[e], b1v)
            b1i = jnp.where(gt, jnp.int32(e), b1i)
        b2l = jnp.full((L,), -jnp.inf, jnp.float32)
        b2v = jnp.zeros((L,), jnp.float32)
        b2i = jnp.zeros((L,), jnp.int32)
        for e in range(NE):
            gt = jnp.logical_and(logits[e] > b2l, b1i != e)
            b2l = jnp.where(gt, logits[e], b2l)
            b2v = jnp.where(gt, p[e], b2v)
            b2i = jnp.where(gt, jnp.int32(e), b2i)

        rt = 1.0 / (b1v + b2v)
        tv_v[0, sl] = b1v * rt
        tv_v[1, sl] = b2v * rt
        ti_v[0, sl] = b1i
        ti_v[1, sl] = b2i
        return carry

    lax.fori_loop(0, GROUPS, body, 0)

    pltpu.sync_copy(p_v, pt_hbm.at[:, pl.ds(base, CHUNK)])
    pltpu.sync_copy(tv_v, tvt_hbm.at[:, pl.ds(base, CHUNK)])
    pltpu.sync_copy(ti_v, tit_hbm.at[:, pl.ds(base, CHUNK)])


_router = pl.kernel(
    _router_body,
    out_type=_OUT_TYPE,
    mesh=_mesh,
    scratch_types=_SCRATCH,
    compiler_params=pltpu.CompilerParams(needs_layout_passes=False),
)


def kernel(hidden_states, weight):
    pt, tvt, tit = _router(hidden_states.T, weight)
    return (pt.T, tvt.T, tit.T)

# --- scband reference (transcript-rebuilt; emitter-appended) ---
"""Pipeline reference for scband-synthetic-top-krouter-45140106281245 (READ-ONLY COPY).

The authoritative reference and input builder live on the scoring server;
editing this copy changes nothing except your own understanding.
"""

import jax, jax.numpy as jnp
import numpy as np

HIDDEN_DIM = 32
NUM_EXPERTS = 4
TOP_K = 2


def setup_inputs(seed: int = 0) -> dict:
    key = jax.random.key(seed)
    k1, k2 = jax.random.split(key)
    hidden_states = jax.random.normal(k1, (32768, HIDDEN_DIM), dtype=jnp.float32)
    weight = jax.random.normal(k2, (NUM_EXPERTS, HIDDEN_DIM), dtype=jnp.float32) * 0.02
    return {"hidden_states": hidden_states, "weight": weight}


def reference(hidden_states, weight):
    # F.linear(x, W) == x @ W.T
    router_logits = hidden_states @ weight.T
    router_logits = jax.nn.softmax(router_logits.astype(jnp.float32), axis=-1)
    router_top_value, router_indices = jax.lax.top_k(router_logits, TOP_K)
    router_top_value = router_top_value / jnp.sum(router_top_value, axis=-1, keepdims=True)
    return (router_logits, router_top_value, router_indices)

if __name__ == "__main__":
    import jax
    _d = setup_inputs()
    print(jax.jit(kernel)(*tuple(_d.values())))

</pallas_src>

<mosaic_0001>
#map = affine_map<(d0, d1) -> (0, 0)>
module attributes {stable_mosaic.version = 14 : i64} {
  func.func @_router_body(%arg0: i32, %arg1: i32, %arg2: memref<32x32768xf32, #tpu.memory_space<hbm>>, %arg3: memref<4x32xf32, #tpu.memory_space<hbm>>, %arg4: memref<4x32768xf32, #tpu.memory_space<hbm>>, %arg5: memref<2x32768xf32, #tpu.memory_space<hbm>>, %arg6: memref<2x32768xi32, #tpu.memory_space<hbm>>, %arg7: memref<32x1024xf32, #tpu.memory_space<vmem>>, %arg8: memref<4x32xf32, #tpu.memory_space<vmem>>, %arg9: memref<4x1024xf32, #tpu.memory_space<vmem>>, %arg10: memref<2x1024xf32, #tpu.memory_space<vmem>>, %arg11: memref<2x1024xi32, #tpu.memory_space<vmem>>) attributes {dimension_semantics = [#tpu.dimension_semantics<core_parallel>, #tpu.dimension_semantics<subcore_parallel>], iteration_bounds = array<i64: 2, 16>, scalar_prefetch = 0 : i64, scratch_operands = 5 : i64, tpu.core_type = #tpu.core_type<sc_vector_subcore>, window_params = [{transform_indices = #map}, {transform_indices = #map}, {transform_indices = #map}, {transform_indices = #map}, {transform_indices = #map}]} {
    %mul3A = arith.constant 2 : i32
    %mul3A_0 = arith.muli %arg1, %mul3A : i32
    %add3A = arith.addi %mul3A_0, %arg0 : i32
    %mul3A_1 = arith.constant 1024 : i32
    %mul3A_2 = arith.muli %add3A, %mul3A_1 : i32
    "tpu.region"() ({
      %run_scoped3A = tpu.sem_alloc : memref<!tpu.dma_semaphore, #tpu.memory_space<semaphore_mem>>
      tpu.enqueue_dma source(%arg3 : memref<4x32xf32, #tpu.memory_space<hbm>>) target(%arg8 : memref<4x32xf32, #tpu.memory_space<vmem>>) target_semaphore(%run_scoped3A : memref<!tpu.dma_semaphore, #tpu.memory_space<semaphore_mem>>)
      tpu.wait_dma2 semaphore(%run_scoped3A : memref<!tpu.dma_semaphore, #tpu.memory_space<semaphore_mem>>) src(%arg3 : memref<4x32xf32, #tpu.memory_space<hbm>>) dst(%arg8 : memref<4x32xf32, #tpu.memory_space<vmem>>)
      tpu.yield
    }) : () -> ()
    "tpu.region"() ({
      %run_scoped3A = tpu.sem_alloc : memref<!tpu.dma_semaphore, #tpu.memory_space<semaphore_mem>>
      %dma_start3A = arith.constant 0 : i32
      %dma_start3A_410 = tpu.memref_slice %arg2[%dma_start3A, %mul3A_2] : memref<32x32768xf32, #tpu.memory_space<hbm>> -> memref<32x1024xf32, #tpu.memory_space<hbm>>
      %dma_start3A_411 = arith.constant 0 : i32
      %dma_start3A_412 = tpu.memref_slice %arg2[%dma_start3A_411, %mul3A_2] : memref<32x32768xf32, #tpu.memory_space<hbm>> -> memref<32x1024xf32, #tpu.memory_space<hbm>>
      tpu.enqueue_dma source(%dma_start3A_412 : memref<32x1024xf32, #tpu.memory_space<hbm>>) target(%arg7 : memref<32x1024xf32, #tpu.memory_space<vmem>>) target_semaphore(%run_scoped3A : memref<!tpu.dma_semaphore, #tpu.memory_space<semaphore_mem>>)
      %dma_wait3A = arith.constant 0 : i32
      %dma_wait3A_413 = tpu.memref_slice %arg2[%dma_wait3A, %mul3A_2] : memref<32x32768xf32, #tpu.memory_space<hbm>> -> memref<32x1024xf32, #tpu.memory_space<hbm>>
      %dma_wait3A_414 = arith.constant 0 : i32
      %dma_wait3A_415 = tpu.memref_slice %arg2[%dma_wait3A_414, %mul3A_2] : memref<32x32768xf32, #tpu.memory_space<hbm>> -> memref<32x1024xf32, #tpu.memory_space<hbm>>
      tpu.wait_dma2 semaphore(%run_scoped3A : memref<!tpu.dma_semaphore, #tpu.memory_space<semaphore_mem>>) src(%dma_wait3A_415 : memref<32x1024xf32, #tpu.memory_space<hbm>>) dst(%arg7 : memref<32x1024xf32, #tpu.memory_space<vmem>>)
      tpu.yield
    }) : () -> ()
    %get3A = arith.constant 0 : i32
    %get3A_3 = arith.index_cast %get3A : i32 to index
    %get3A_4 = arith.constant 0 : index
    %get3A_5 = tpu.vector_load %arg8[%get3A_3, %get3A_4] {strides = array<i32>} : memref<4x32xf32, #tpu.memory_space<vmem>>, vector<16xf32>,
    %bitcast3A = vector.bitcast %get3A_5 : vector<16xf32> to vector<16xi32>
    %add3A_6 = arith.constant 32767 : i32
    %add3A_7 = vector.broadcast %add3A_6 : i32 to vector<16xi32>
    %add3A_8 = arith.addi %bitcast3A, %add3A_7 : vector<16xi32>
    %shift_right_arithmetic3A = arith.constant 16 : i32
    %shift_right_arithmetic3A_9 = vector.broadcast %shift_right_arithmetic3A : i32 to vector<16xi32>
    %shift_right_arithmetic3A_10 = arith.shrsi %bitcast3A, %shift_right_arithmetic3A_9 : vector<16xi32>
    %and3A = arith.constant 1 : i32
    %and3A_11 = vector.broadcast %and3A : i32 to vector<16xi32>
    %and3A_12 = arith.andi %shift_right_arithmetic3A_10, %and3A_11 : vector<16xi32>
    %add3A_13 = arith.addi %add3A_8, %and3A_12 : vector<16xi32>
    %and3A_14 = arith.constant -65536 : i32
    %and3A_15 = vector.broadcast %and3A_14 : i32 to vector<16xi32>
    %and3A_16 = arith.andi %add3A_13, %and3A_15 : vector<16xi32>
    %bitcast3A_17 = vector.bitcast %and3A_16 : vector<16xi32> to vector<16xf32>
    %get3A_18 = arith.constant 0 : i32
    %get3A_19 = arith.index_cast %get3A_18 : i32 to index
    %get3A_20 = arith.constant 16 : index
    %get3A_21 = tpu.vector_load %arg8[%get3A_19, %get3A_20] {strides = array<i32>} : memref<4x32xf32, #tpu.memory_space<vmem>>, vector<16xf32>,
    %bitcast3A_22 = vector.bitcast %get3A_21 : vector<16xf32> to vector<16xi32>
    %add3A_23 = arith.constant 32767 : i32
    %add3A_24 = vector.broadcast %add3A_23 : i32 to vector<16xi32>
    %add3A_25 = arith.addi %bitcast3A_22, %add3A_24 : vector<16xi32>
    %shift_right_arithmetic3A_26 = arith.constant 16 : i32
    %shift_right_arithmetic3A_27 = vector.broadcast %shift_right_arithmetic3A_26 : i32 to vector<16xi32>
    %shift_right_arithmetic3A_28 = arith.shrsi %bitcast3A_22, %shift_right_arithmetic3A_27 : vector<16xi32>
    %and3A_29 = arith.constant 1 : i32
    %and3A_30 = vector.broadcast %and3A_29 : i32 to vector<16xi32>
    %and3A_31 = arith.andi %shift_right_arithmetic3A_28, %and3A_30 : vector<16xi32>
    %add3A_32 = arith.addi %add3A_25, %and3A_31 : vector<16xi32>
    %and3A_33 = arith.constant -65536 : i32
    %and3A_34 = vector.broadcast %and3A_33 : i32 to vector<16xi32>
    %and3A_35 = arith.andi %add3A_32, %and3A_34 : vector<16xi32>
    %bitcast3A_36 = vector.bitcast %and3A_35 : vector<16xi32> to vector<16xf32>
    %slice3A = vector.extract_strided_slice %bitcast3A_17 {offsets = [0], sizes = [1], strides = [1]} : vector<16xf32> to vector<1xf32>
    %squeeze3A = vector.extract %slice3A[0] : f32 from vector<1xf32>
    %slice3A_37 = vector.extract_strided_slice %bitcast3A_17 {offsets = [1], sizes = [1], strides = [1]} : vector<16xf32> to vector<1xf32>
    %squeeze3A_38 = vector.extract %slice3A_37[0] : f32 from vector<1xf32>
    %slice3A_39 = vector.extract_strided_slice %bitcast3A_17 {offsets = [2], sizes = [1], strides = [1]} : vector<16xf32> to vector<1xf32>
    %squeeze3A_40 = vector.extract %slice3A_39[0] : f32 from vector<1xf32>
    %slice3A_41 = vector.extract_strided_slice %bitcast3A_17 {offsets = [3], sizes = [1], strides = [1]} : vector<16xf32> to vector<1xf32>
    %squeeze3A_42 = vector.extract %slice3A_41[0] : f32 from vector<1xf32>
    %slice3A_43 = vector.extract_strided_slice %bitcast3A_17 {offsets = [4], sizes = [1], strides = [1]} : vector<16xf32> to vector<1xf32>
    %squeeze3A_44 = vector.extract %slice3A_43[0] : f32 from vector<1xf32>
    %slice3A_45 = vector.extract_strided_slice %bitcast3A_17 {offsets = [5], sizes = [1], strides = [1]} : vector<16xf32> to vector<1xf32>
    %squeeze3A_46 = vector.extract %slice3A_45[0] : f32 from vector<1xf32>
    %slice3A_47 = vector.extract_strided_slice %bitcast3A_17 {offsets = [6], sizes = [1], strides = [1]} : vector<16xf32> to vector<1xf32>
    %squeeze3A_48 = vector.extract %slice3A_47[0] : f32 from vector<1xf32>
    %slice3A_49 = vector.extract_strided_slice %bitcast3A_17 {offsets = [7], sizes = [1], strides = [1]} : vector<16xf32> to vector<1xf32>
    %squeeze3A_50 = vector.extract %slice3A_49[0] : f32 from vector<1xf32>
    %slice3A_51 = vector.extract_strided_slice %bitcast3A_17 {offsets = [8], sizes = [1], strides = [1]} : vector<16xf32> to vector<1xf32>
    %squeeze3A_52 = vector.extract %slice3A_51[0] : f32 from vector<1xf32>
    %slice3A_53 = vector.extract_strided_slice %bitcast3A_17 {offsets = [9], sizes = [1], strides = [1]} : vector<16xf32> to vector<1xf32>
    %squeeze3A_54 = vector.extract %slice3A_53[0] : f32 from vector<1xf32>
    %slice3A_55 = vector.extract_strided_slice %bitcast3A_17 {offsets = [10], sizes = [1], strides = [1]} : vector<16xf32> to vector<1xf32>
    %squeeze3A_56 = vector.extract %slice3A_55[0] : f32 from vector<1xf32>
    %slice3A_57 = vector.extract_strided_slice %bitcast3A_17 {offsets = [11], sizes = [1], strides = [1]} : vector<16xf32> to vector<1xf32>
    %squeeze3A_58 = vector.extract %slice3A_57[0] : f32 from vector<1xf32>
    %slice3A_59 = vector.extract_strided_slice %bitcast3A_17 {offsets = [12], sizes = [1], strides = [1]} : vector<16xf32> to vector<1xf32>
    %squeeze3A_60 = vector.extract %slice3A_59[0] : f32 from vector<1xf32>
    %slice3A_61 = vector.extract_strided_slice %bitcast3A_17 {offsets = [13], sizes = [1], strides = [1]} : vector<16xf32> to vector<1xf32>
    %squeeze3A_62 = vector.extract %slice3A_61[0] : f32 from vector<1xf32>
    %slice3A_63 = vector.extract_strided_slice %bitcast3A_17 {offsets = [14], sizes = [1], strides = [1]} : vector<16xf32> to vector<1xf32>
    %squeeze3A_64 = vector.extract %slice3A_63[0] : f32 from vector<1xf32>
    %slice3A_65 = vector.extract_strided_slice %bitcast3A_17 {offsets = [15], sizes = [1], strides = [1]} : vector<16xf32> to vector<1xf32>
    %squeeze3A_66 = vector.extract %slice3A_65[0] : f32 from vector<1xf32>
    %slice3A_67 = vector.extract_strided_slice %bitcast3A_36 {offsets = [0], sizes = [1], strides = [1]} : vector<16xf32> to vector<1xf32>
    %squeeze3A_68 = vector.extract %slice3A_67[0] : f32 from vector<1xf32>
    %slice3A_69 = vector.extract_strided_slice %bitcast3A_36 {offsets = [1], sizes = [1], strides = [1]} : vector<16xf32> to vector<1xf32>
    %squeeze3A_70 = vector.extract %slice3A_69[0] : f32 from vector<1xf32>
    %slice3A_71 = vector.extract_strided_slice %bitcast3A_36 {offsets = [2], sizes = [1], strides = [1]} : vector<16xf32> to vector<1xf32>
    %squeeze3A_72 = vector.extract %slice3A_71[0] : f32 from vector<1xf32>
    %slice3A_73 = vector.extract_strided_slice %bitcast3A_36 {offsets = [3], sizes = [1], strides = [1]} : vector<16xf32> to vector<1xf32>
    %squeeze3A_74 = vector.extract %slice3A_73[0] : f32 from vector<1xf32>
    %slice3A_75 = vector.extract_strided_slice %bitcast3A_36 {offsets = [4], sizes = [1], strides = [1]} : vector<16xf32> to vector<1xf32>
    %squeeze3A_76 = vector.extract %slice3A_75[0] : f32 from vector<1xf32>
    %slice3A_77 = vector.extract_strided_slice %bitcast3A_36 {offsets = [5], sizes = [1], strides = [1]} : vector<16xf32> to vector<1xf32>
    %squeeze3A_78 = vector.extract %slice3A_77[0] : f32 from vector<1xf32>
    %slice3A_79 = vector.extract_strided_slice %bitcast3A_36 {offsets = [6], sizes = [1], strides = [1]} : vector<16xf32> to vector<1xf32>
    %squeeze3A_80 = vector.extract %slice3A_79[0] : f32 from vector<1xf32>
    %slice3A_81 = vector.extract_strided_slice %bitcast3A_36 {offsets = [7], sizes = [1], strides = [1]} : vector<16xf32> to vector<1xf32>
    %squeeze3A_82 = vector.extract %slice3A_81[0] : f32 from vector<1xf32>
    %slice3A_83 = vector.extract_strided_slice %bitcast3A_36 {offsets = [8], sizes = [1], strides = [1]} : vector<16xf32> to vector<1xf32>
    %squeeze3A_84 = vector.extract %slice3A_83[0] : f32 from vector<1xf32>
    %slice3A_85 = vector.extract_strided_slice %bitcast3A_36 {offsets = [9], sizes = [1], strides = [1]} : vector<16xf32> to vector<1xf32>
    %squeeze3A_86 = vector.extract %slice3A_85[0] : f32 from vector<1xf32>
    %slice3A_87 = vector.extract_strided_slice %bitcast3A_36 {offsets = [10], sizes = [1], strides = [1]} : vector<16xf32> to vector<1xf32>
    %squeeze3A_88 = vector.extract %slice3A_87[0] : f32 from vector<1xf32>
    %slice3A_89 = vector.extract_strided_slice %bitcast3A_36 {offsets = [11], sizes = [1], strides = [1]} : vector<16xf32> to vector<1xf32>
    %squeeze3A_90 = vector.extract %slice3A_89[0] : f32 from vector<1xf32>
    %slice3A_91 = vector.extract_strided_slice %bitcast3A_36 {offsets = [12], sizes = [1], strides = [1]} : vector<16xf32> to vector<1xf32>
    %squeeze3A_92 = vector.extract %slice3A_91[0] : f32 from vector<1xf32>
    %slice3A_93 = vector.extract_strided_slice %bitcast3A_36 {offsets = [13], sizes = [1], strides = [1]} : vector<16xf32> to vector<1xf32>
    %squeeze3A_94 = vector.extract %slice3A_93[0] : f32 from vector<1xf32>
    %slice3A_95 = vector.extract_strided_slice %bitcast3A_36 {offsets = [14], sizes = [1], strides = [1]} : vector<16xf32> to vector<1xf32>
    %squeeze3A_96 = vector.extract %slice3A_95[0] : f32 from vector<1xf32>
    %slice3A_97 = vector.extract_strided_slice %bitcast3A_36 {offsets = [15], sizes = [1], strides = [1]} : vector<16xf32> to vector<1xf32>
    %squeeze3A_98 = vector.extract %slice3A_97[0] : f32 from vector<1xf32>
    %get3A_99 = arith.constant 1 : i32
    %get3A_100 = arith.index_cast %get3A_99 : i32 to index
    %get3A_101 = arith.constant 0 : index
    %get3A_102 = tpu.vector_load %arg8[%get3A_100, %get3A_101] {strides = array<i32>} : memref<4x32xf32, #tpu.memory_space<vmem>>, vector<16xf32>,
    %bitcast3A_103 = vector.bitcast %get3A_102 : vector<16xf32> to vector<16xi32>
    %add3A_104 = arith.constant 32767 : i32
    %add3A_105 = vector.broadcast %add3A_104 : i32 to vector<16xi32>
    %add3A_106 = arith.addi %bitcast3A_103, %add3A_105 : vector<16xi32>
    %shift_right_arithmetic3A_107 = arith.constant 16 : i32
    %shift_right_arithmetic3A_108 = vector.broadcast %shift_right_arithmetic3A_107 : i32 to vector<16xi32>
    %shift_right_arithmetic3A_109 = arith.shrsi %bitcast3A_103, %shift_right_arithmetic3A_108 : vector<16xi32>
    %and3A_110 = arith.constant 1 : i32
    %and3A_111 = vector.broadcast %and3A_110 : i32 to vector<16xi32>
    %and3A_112 = arith.andi %shift_right_arithmetic3A_109, %and3A_111 : vector<16xi32>
    %add3A_113 = arith.addi %add3A_106, %and3A_112 : vector<16xi32>
    %and3A_114 = arith.constant -65536 : i32
    %and3A_115 = vector.broadcast %and3A_114 : i32 to vector<16xi32>
    %and3A_116 = arith.andi %add3A_113, %and3A_115 : vector<16xi32>
    %bitcast3A_117 = vector.bitcast %and3A_116 : vector<16xi32> to vector<16xf32>
    %get3A_118 = arith.constant 1 : i32
    %get3A_119 = arith.index_cast %get3A_118 : i32 to index
    %get3A_120 = arith.constant 16 : index
    %get3A_121 = tpu.vector_load %arg8[%get3A_119, %get3A_120] {strides = array<i32>} : memref<4x32xf32, #tpu.memory_space<vmem>>, vector<16xf32>,
    %bitcast3A_122 = vector.bitcast %get3A_121 : vector<16xf32> to vector<16xi32>
    %add3A_123 = arith.constant 32767 : i32
    %add3A_124 = vector.broadcast %add3A_123 : i32 to vector<16xi32>
    %add3A_125 = arith.addi %bitcast3A_122, %add3A_124 : vector<16xi32>
    %shift_right_arithmetic3A_126 = arith.constant 16 : i32
    %shift_right_arithmetic3A_127 = vector.broadcast %shift_right_arithmetic3A_126 : i32 to vector<16xi32>
    %shift_right_arithmetic3A_128 = arith.shrsi %bitcast3A_122, %shift_right_arithmetic3A_127 : vector<16xi32>
    %and3A_129 = arith.constant 1 : i32
    %and3A_130 = vector.broadcast %and3A_129 : i32 to vector<16xi32>
    %and3A_131 = arith.andi %shift_right_arithmetic3A_128, %and3A_130 : vector<16xi32>
    %add3A_132 = arith.addi %add3A_125, %and3A_131 : vector<16xi32>
    %and3A_133 = arith.constant -65536 : i32
    %and3A_134 = vector.broadcast %and3A_133 : i32 to vector<16xi32>
    %and3A_135 = arith.andi %add3A_132, %and3A_134 : vector<16xi32>
    %bitcast3A_136 = vector.bitcast %and3A_135 : vector<16xi32> to vector<16xf32>
    %slice3A_137 = vector.extract_strided_slice %bitcast3A_117 {offsets = [0], sizes = [1], strides = [1]} : vector<16xf32> to vector<1xf32>
    %squeeze3A_138 = vector.extract %slice3A_137[0] : f32 from vector<1xf32>
    %slice3A_139 = vector.extract_strided_slice %bitcast3A_117 {offsets = [1], sizes = [1], strides = [1]} : vector<16xf32> to vector<1xf32>
    %squeeze3A_140 = vector.extract %slice3A_139[0] : f32 from vector<1xf32>
    %slice3A_141 = vector.extract_strided_slice %bitcast3A_117 {offsets = [2], sizes = [1], strides = [1]} : vector<16xf32> to vector<1xf32>
    %squeeze3A_142 = vector.extract %slice3A_141[0] : f32 from vector<1xf32>
    %slice3A_143 = vector.extract_strided_slice %bitcast3A_117 {offsets = [3], sizes = [1], strides = [1]} : vector<16xf32> to vector<1xf32>
    %squeeze3A_144 = vector.extract %slice3A_143[0] : f32 from vector<1xf32>
    %slice3A_145 = vector.extract_strided_slice %bitcast3A_117 {offsets = [4], sizes = [1], strides = [1]} : vector<16xf32> to vector<1xf32>
    %squeeze3A_146 = vector.extract %slice3A_145[0] : f32 from vector<1xf32>
    %slice3A_147 = vector.extract_strided_slice %bitcast3A_117 {offsets = [5], sizes = [1], strides = [1]} : vector<16xf32> to vector<1xf32>
    %squeeze3A_148 = vector.extract %slice3A_147[0] : f32 from vector<1xf32>
    %slice3A_149 = vector.extract_strided_slice %bitcast3A_117 {offsets = [6], sizes = [1], strides = [1]} : vector<16xf32> to vector<1xf32>
    %squeeze3A_150 = vector.extract %slice3A_149[0] : f32 from vector<1xf32>
    %slice3A_151 = vector.extract_strided_slice %bitcast3A_117 {offsets = [7], sizes = [1], strides = [1]} : vector<16xf32> to vector<1xf32>
    %squeeze3A_152 = vector.extract %slice3A_151[0] : f32 from vector<1xf32>
    %slice3A_153 = vector.extract_strided_slice %bitcast3A_117 {offsets = [8], sizes = [1], strides = [1]} : vector<16xf32> to vector<1xf32>
    %squeeze3A_154 = vector.extract %slice3A_153[0] : f32 from vector<1xf32>
    %slice3A_155 = vector.extract_strided_slice %bitcast3A_117 {offsets = [9], sizes = [1], strides = [1]} : vector<16xf32> to vector<1xf32>
    %squeeze3A_156 = vector.extract %slice3A_155[0] : f32 from vector<1xf32>
    %slice3A_157 = vector.extract_strided_slice %bitcast3A_117 {offsets = [10], sizes = [1], strides = [1]} : vector<16xf32> to vector<1xf32>
    %squeeze3A_158 = vector.extract %slice3A_157[0] : f32 from vector<1xf32>
    %slice3A_159 = vector.extract_strided_slice %bitcast3A_117 {offsets = [11], sizes = [1], strides = [1]} : vector<16xf32> to vector<1xf32>
    %squeeze3A_160 = vector.extract %slice3A_159[0] : f32 from vector<1xf32>
    %slice3A_161 = vector.extract_strided_slice %bitcast3A_117 {offsets = [12], sizes = [1], strides = [1]} : vector<16xf32> to vector<1xf32>
    %squeeze3A_162 = vector.extract %slice3A_161[0] : f32 from vector<1xf32>
    %slice3A_163 = vector.extract_strided_slice %bitcast3A_117 {offsets = [13], sizes = [1], strides = [1]} : vector<16xf32> to vector<1xf32>
    %squeeze3A_164 = vector.extract %slice3A_163[0] : f32 from vector<1xf32>
    %slice3A_165 = vector.extract_strided_slice %bitcast3A_117 {offsets = [14], sizes = [1], strides = [1]} : vector<16xf32> to vector<1xf32>
    %squeeze3A_166 = vector.extract %slice3A_165[0] : f32 from vector<1xf32>
    %slice3A_167 = vector.extract_strided_slice %bitcast3A_117 {offsets = [15], sizes = [1], strides = [1]} : vector<16xf32> to vector<1xf32>
    %squeeze3A_168 = vector.extract %slice3A_167[0] : f32 from vector<1xf32>
    %slice3A_169 = vector.extract_strided_slice %bitcast3A_136 {offsets = [0], sizes = [1], strides = [1]} : vector<16xf32> to vector<1xf32>
    %squeeze3A_170 = vector.extract %slice3A_169[0] : f32 from vector<1xf32>
    %slice3A_171 = vector.extract_strided_slice %bitcast3A_136 {offsets = [1], sizes = [1], strides = [1]} : vector<16xf32> to vector<1xf32>
    %squeeze3A_172 = vector.extract %slice3A_171[0] : f32 from vector<1xf32>
    %slice3A_173 = vector.extract_strided_slice %bitcast3A_136 {offsets = [2], sizes = [1], strides = [1]} : vector<16xf32> to vector<1xf32>
    %squeeze3A_174 = vector.extract %slice3A_173[0] : f32 from vector<1xf32>
    %slice3A_175 = vector.extract_strided_slice %bitcast3A_136 {offsets = [3], sizes = [1], strides = [1]} : vector<16xf32> to vector<1xf32>
    %squeeze3A_176 = vector.extract %slice3A_175[0] : f32 from vector<1xf32>
    %slice3A_177 = vector.extract_strided_slice %bitcast3A_136 {offsets = [4], sizes = [1], strides = [1]} : vector<16xf32> to vector<1xf32>
    %squeeze3A_178 = vector.extract %slice3A_177[0] : f32 from vector<1xf32>
    %slice3A_179 = vector.extract_strided_slice %bitcast3A_136 {offsets = [5], sizes = [1], strides = [1]} : vector<16xf32> to vector<1xf32>
    %squeeze3A_180 = vector.extract %slice3A_179[0] : f32 from vector<1xf32>
    %slice3A_181 = vector.extract_strided_slice %bitcast3A_136 {offsets = [6], sizes = [1], strides = [1]} : vector<16xf32> to vector<1xf32>
    %squeeze3A_182 = vector.extract %slice3A_181[0] : f32 from vector<1xf32>
    %slice3A_183 = vector.extract_strided_slice %bitcast3A_136 {offsets = [7], sizes = [1], strides = [1]} : vector<16xf32> to vector<1xf32>
    %squeeze3A_184 = vector.extract %slice3A_183[0] : f32 from vector<1xf32>
    %slice3A_185 = vector.extract_strided_slice %bitcast3A_136 {offsets = [8], sizes = [1], strides = [1]} : vector<16xf32> to vector<1xf32>
    %squeeze3A_186 = vector.extract %slice3A_185[0] : f32 from vector<1xf32>
    %slice3A_187 = vector.extract_strided_slice %bitcast3A_136 {offsets = [9], sizes = [1], strides = [1]} : vector<16xf32> to vector<1xf32>
    %squeeze3A_188 = vector.extract %slice3A_187[0] : f32 from vector<1xf32>
    %slice3A_189 = vector.extract_strided_slice %bitcast3A_136 {offsets = [10], sizes = [1], strides = [1]} : vector<16xf32> to vector<1xf32>
    %squeeze3A_190 = vector.extract %slice3A_189[0] : f32 from vector<1xf32>
    %slice3A_191 = vector.extract_strided_slice %bitcast3A_136 {offsets = [11], sizes = [1], strides = [1]} : vector<16xf32> to vector<1xf32>
    %squeeze3A_192 = vector.extract %slice3A_191[0] : f32 from vector<1xf32>
    %slice3A_193 = vector.extract_strided_slice %bitcast3A_136 {offsets = [12], sizes = [1], strides = [1]} : vector<16xf32> to vector<1xf32>
    %squeeze3A_194 = vector.extract %slice3A_193[0] : f32 from vector<1xf32>
    %slice3A_195 = vector.extract_strided_slice %bitcast3A_136 {offsets = [13], sizes = [1], strides = [1]} : vector<16xf32> to vector<1xf32>
    %squeeze3A_196 = vector.extract %slice3A_195[0] : f32 from vector<1xf32>
    %slice3A_197 = vector.extract_strided_slice %bitcast3A_136 {offsets = [14], sizes = [1], strides = [1]} : vector<16xf32> to vector<1xf32>
    %squeeze3A_198 = vector.extract %slice3A_197[0] : f32 from vector<1xf32>
    %slice3A_199 = vector.extract_strided_slice %bitcast3A_136 {offsets = [15], sizes = [1], strides = [1]} : vector<16xf32> to vector<1xf32>
    %squeeze3A_200 = vector.extract %slice3A_199[0] : f32 from vector<1xf32>
    %get3A_201 = arith.constant 2 : i32
    %get3A_202 = arith.index_cast %get3A_201 : i32 to index
    %get3A_203 = arith.constant 0 : index
    %get3A_204 = tpu.vector_load %arg8[%get3A_202, %get3A_203] {strides = array<i32>} : memref<4x32xf32, #tpu.memory_space<vmem>>, vector<16xf32>,
    %bitcast3A_205 = vector.bitcast %get3A_204 : vector<16xf32> to vector<16xi32>
    %add3A_206 = arith.constant 32767 : i32
    %add3A_207 = vector.broadcast %add3A_206 : i32 to vector<16xi32>
    %add3A_208 = arith.addi %bitcast3A_205, %add3A_207 : vector<16xi32>
    %shift_right_arithmetic3A_209 = arith.constant 16 : i32
    %shift_right_arithmetic3A_210 = vector.broadcast %shift_right_arithmetic3A_209 : i32 to vector<16xi32>
    %shift_right_arithmetic3A_211 = arith.shrsi %bitcast3A_205, %shift_right_arithmetic3A_210 : vector<16xi32>
    %and3A_212 = arith.constant 1 : i32
    %and3A_213 = vector.broadcast %and3A_212 : i32 to vector<16xi32>
    %and3A_214 = arith.andi %shift_right_arithmetic3A_211, %and3A_213 : vector<16xi32>
    %add3A_215 = arith.addi %add3A_208, %and3A_214 : vector<16xi32>
    %and3A_216 = arith.constant -65536 : i32
    %and3A_217 = vector.broadcast %and3A_216 : i32 to vector<16xi32>
    %and3A_218 = arith.andi %add3A_215, %and3A_217 : vector<16xi32>
    %bitcast3A_219 = vector.bitcast %and3A_218 : vector<16xi32> to vector<16xf32>
    %get3A_220 = arith.constant 2 : i32
    %get3A_221 = arith.index_cast %get3A_220 : i32 to index
    %get3A_222 = arith.constant 16 : index
    %get3A_223 = tpu.vector_load %arg8[%get3A_221, %get3A_222] {strides = array<i32>} : memref<4x32xf32, #tpu.memory_space<vmem>>, vector<16xf32>,
    %bitcast3A_224 = vector.bitcast %get3A_223 : vector<16xf32> to vector<16xi32>
    %add3A_225 = arith.constant 32767 : i32
    %add3A_226 = vector.broadcast %add3A_225 : i32 to vector<16xi32>
    %add3A_227 = arith.addi %bitcast3A_224, %add3A_226 : vector<16xi32>
    %shift_right_arithmetic3A_228 = arith.constant 16 : i32
    %shift_right_arithmetic3A_229 = vector.broadcast %shift_right_arithmetic3A_228 : i32 to vector<16xi32>
    %shift_right_arithmetic3A_230 = arith.shrsi %bitcast3A_224, %shift_right_arithmetic3A_229 : vector<16xi32>
    %and3A_231 = arith.constant 1 : i32
    %and3A_232 = vector.broadcast %and3A_231 : i32 to vector<16xi32>
    %and3A_233 = arith.andi %shift_right_arithmetic3A_230, %and3A_232 : vector<16xi32>
    %add3A_234 = arith.addi %add3A_227, %and3A_233 : vector<16xi32>
    %and3A_235 = arith.constant -65536 : i32
    %and3A_236 = vector.broadcast %and3A_235 : i32 to vector<16xi32>
    %and3A_237 = arith.andi %add3A_234, %and3A_236 : vector<16xi32>
    %bitcast3A_238 = vector.bitcast %and3A_237 : vector<16xi32> to vector<16xf32>
    %slice3A_239 = vector.extract_strided_slice %bitcast3A_219 {offsets = [0], sizes = [1], strides = [1]} : vector<16xf32> to vector<1xf32>
    %squeeze3A_240 = vector.extract %slice3A_239[0] : f32 from vector<1xf32>
    %slice3A_241 = vector.extract_strided_slice %bitcast3A_219 {offsets = [1], sizes = [1], strides = [1]} : vector<16xf32> to vector<1xf32>
    %squeeze3A_242 = vector.extract %slice3A_241[0] : f32 from vector<1xf32>
    %slice3A_243 = vector.extract_strided_slice %bitcast3A_219 {offsets = [2], sizes = [1], strides = [1]} : vector<16xf32> to vector<1xf32>
    %squeeze3A_244 = vector.extract %slice3A_243[0] : f32 from vector<1xf32>
    %slice3A_245 = vector.extract_strided_slice %bitcast3A_219 {offsets = [3], sizes = [1], strides = [1]} : vector<16xf32> to vector<1xf32>
    %squeeze3A_246 = vector.extract %slice3A_245[0] : f32 from vector<1xf32>
    %slice3A_247 = vector.extract_strided_slice %bitcast3A_219 {offsets = [4], sizes = [1], strides = [1]} : vector<16xf32> to vector<1xf32>
    %squeeze3A_248 = vector.extract %slice3A_247[0] : f32 from vector<1xf32>
    %slice3A_249 = vector.extract_strided_slice %bitcast3A_219 {offsets = [5], sizes = [1], strides = [1]} : vector<16xf32> to vector<1xf32>
    %squeeze3A_250 = vector.extract %slice3A_249[0] : f32 from vector<1xf32>
    %slice3A_251 = vector.extract_strided_slice %bitcast3A_219 {offsets = [6], sizes = [1], strides = [1]} : vector<16xf32> to vector<1xf32>
    %squeeze3A_252 = vector.extract %slice3A_251[0] : f32 from vector<1xf32>
    %slice3A_253 = vector.extract_strided_slice %bitcast3A_219 {offsets = [7], sizes = [1], strides = [1]} : vector<16xf32> to vector<1xf32>
    %squeeze3A_254 = vector.extract %slice3A_253[0] : f32 from vector<1xf32>
    %slice3A_255 = vector.extract_strided_slice %bitcast3A_219 {offsets = [8], sizes = [1], strides = [1]} : vector<16xf32> to vector<1xf32>
    %squeeze3A_256 = vector.extract %slice3A_255[0] : f32 from vector<1xf32>
    %slice3A_257 = vector.extract_strided_slice %bitcast3A_219 {offsets = [9], sizes = [1], strides = [1]} : vector<16xf32> to vector<1xf32>
    %squeeze3A_258 = vector.extract %slice3A_257[0] : f32 from vector<1xf32>
    %slice3A_259 = vector.extract_strided_slice %bitcast3A_219 {offsets = [10], sizes = [1], strides = [1]} : vector<16xf32> to vector<1xf32>
    %squeeze3A_260 = vector.extract %slice3A_259[0] : f32 from vector<1xf32>
    %slice3A_261 = vector.extract_strided_slice %bitcast3A_219 {offsets = [11], sizes = [1], strides = [1]} : vector<16xf32> to vector<1xf32>
    %squeeze3A_262 = vector.extract %slice3A_261[0] : f32 from vector<1xf32>
    %slice3A_263 = vector.extract_strided_slice %bitcast3A_219 {offsets = [12], sizes = [1], strides = [1]} : vector<16xf32> to vector<1xf32>
    %squeeze3A_264 = vector.extract %slice3A_263[0] : f32 from vector<1xf32>
    %slice3A_265 = vector.extract_strided_slice %bitcast3A_219 {offsets = [13], sizes = [1], strides = [1]} : vector<16xf32> to vector<1xf32>
    %squeeze3A_266 = vector.extract %slice3A_265[0] : f32 from vector<1xf32>
    %slice3A_267 = vector.extract_strided_slice %bitcast3A_219 {offsets = [14], sizes = [1], strides = [1]} : vector<16xf32> to vector<1xf32>
    %squeeze3A_268 = vector.extract %slice3A_267[0] : f32 from vector<1xf32>
    %slice3A_269 = vector.extract_strided_slice %bitcast3A_219 {offsets = [15], sizes = [1], strides = [1]} : vector<16xf32> to vector<1xf32>
    %squeeze3A_270 = vector.extract %slice3A_269[0] : f32 from vector<1xf32>
    %slice3A_271 = vector.extract_strided_slice %bitcast3A_238 {offsets = [0], sizes = [1], strides = [1]} : vector<16xf32> to vector<1xf32>
    %squeeze3A_272 = vector.extract %slice3A_271[0] : f32 from vector<1xf32>
    %slice3A_273 = vector.extract_strided_slice %bitcast3A_238 {offsets = [1], sizes = [1], strides = [1]} : vector<16xf32> to vector<1xf32>
    %squeeze3A_274 = vector.extract %slice3A_273[0] : f32 from vector<1xf32>
    %slice3A_275 = vector.extract_strided_slice %bitcast3A_238 {offsets = [2], sizes = [1], strides = [1]} : vector<16xf32> to vector<1xf32>
    %squeeze3A_276 = vector.extract %slice3A_275[0] : f32 from vector<1xf32>
    %slice3A_277 = vector.extract_strided_slice %bitcast3A_238 {offsets = [3], sizes = [1], strides = [1]} : vector<16xf32> to vector<1xf32>
    %squeeze3A_278 = vector.extract %slice3A_277[0] : f32 from vector<1xf32>
    %slice3A_279 = vector.extract_strided_slice %bitcast3A_238 {offsets = [4], sizes = [1], strides = [1]} : vector<16xf32> to vector<1xf32>
    %squeeze3A_280 = vector.extract %slice3A_279[0] : f32 from vector<1xf32>
    %slice3A_281 = vector.extract_strided_slice %bitcast3A_238 {offsets = [5], sizes = [1], strides = [1]} : vector<16xf32> to vector<1xf32>
    %squeeze3A_282 = vector.extract %slice3A_281[0] : f32 from vector<1xf32>
    %slice3A_283 = vector.extract_strided_slice %bitcast3A_238 {offsets = [6], sizes = [1], strides = [1]} : vector<16xf32> to vector<1xf32>
    %squeeze3A_284 = vector.extract %slice3A_283[0] : f32 from vector<1xf32>
    %slice3A_285 = vector.extract_strided_slice %bitcast3A_238 {offsets = [7], sizes = [1], strides = [1]} : vector<16xf32> to vector<1xf32>
    %squeeze3A_286 = vector.extract %slice3A_285[0] : f32 from vector<1xf32>
    %slice3A_287 = vector.extract_strided_slice %bitcast3A_238 {offsets = [8], sizes = [1], strides = [1]} : vector<16xf32> to vector<1xf32>
    %squeeze3A_288 = vector.extract %slice3A_287[0] : f32 from vector<1xf32>
    %slice3A_289 = vector.extract_strided_slice %bitcast3A_238 {offsets = [9], sizes = [1], strides = [1]} : vector<16xf32> to vector<1xf32>
    %squeeze3A_290 = vector.extract %slice3A_289[0] : f32 from vector<1xf32>
    %slice3A_291 = vector.extract_strided_slice %bitcast3A_238 {offsets = [10], sizes = [1], strides = [1]} : vector<16xf32> to vector<1xf32>
    %squeeze3A_292 = vector.extract %slice3A_291[0] : f32 from vector<1xf32>
    %slice3A_293 = vector.extract_strided_slice %bitcast3A_238 {offsets = [11], sizes = [1], strides = [1]} : vector<16xf32> to vector<1xf32>
    %squeeze3A_294 = vector.extract %slice3A_293[0] : f32 from vector<1xf32>
    %slice3A_295 = vector.extract_strided_slice %bitcast3A_238 {offsets = [12], sizes = [1], strides = [1]} : vector<16xf32> to vector<1xf32>
    %squeeze3A_296 = vector.extract %slice3A_295[0] : f32 from vector<1xf32>
    %slice3A_297 = vector.extract_strided_slice %bitcast3A_238 {offsets = [13], sizes = [1], strides = [1]} : vector<16xf32> to vector<1xf32>
    %squeeze3A_298 = vector.extract %slice3A_297[0] : f32 from vector<1xf32>
    %slice3A_299 = vector.extract_strided_slice %bitcast3A_238 {offsets = [14], sizes = [1], strides = [1]} : vector<16xf32> to vector<1xf32>
    %squeeze3A_300 = vector.extract %slice3A_299[0] : f32 from vector<1xf32>
    %slice3A_301 = vector.extract_strided_slice %bitcast3A_238 {offsets = [15], sizes = [1], strides = [1]} : vector<16xf32> to vector<1xf32>
    %squeeze3A_302 = vector.extract %slice3A_301[0] : f32 from vector<1xf32>
    %get3A_303 = arith.constant 3 : i32
    %get3A_304 = arith.index_cast %get3A_303 : i32 to index
    %get3A_305 = arith.constant 0 : index
    %get3A_306 = tpu.vector_load %arg8[%get3A_304, %get3A_305] {strides = array<i32>} : memref<4x32xf32, #tpu.memory_space<vmem>>, vector<16xf32>,
    %bitcast3A_307 = vector.bitcast %get3A_306 : vector<16xf32> to vector<16xi32>
    %add3A_308 = arith.constant 32767 : i32
    %add3A_309 = vector.broadcast %add3A_308 : i32 to vector<16xi32>
    %add3A_310 = arith.addi %bitcast3A_307, %add3A_309 : vector<16xi32>
    %shift_right_arithmetic3A_311 = arith.constant 16 : i32
    %shift_right_arithmetic3A_312 = vector.broadcast %shift_right_arithmetic3A_311 : i32 to vector<16xi32>
    %shift_right_arithmetic3A_313 = arith.shrsi %bitcast3A_307, %shift_right_arithmetic3A_312 : vector<16xi32>
    %and3A_314 = arith.constant 1 : i32
    %and3A_315 = vector.broadcast %and3A_314 : i32 to vector<16xi32>
    %and3A_316 = arith.andi %shift_right_arithmetic3A_313, %and3A_315 : vector<16xi32>
    %add3A_317 = arith.addi %add3A_310, %and3A_316 : vector<16xi32>
    %and3A_318 = arith.constant -65536 : i32
    %and3A_319 = vector.broadcast %and3A_318 : i32 to vector<16xi32>
    %and3A_320 = arith.andi %add3A_317, %and3A_319 : vector<16xi32>
    %bitcast3A_321 = vector.bitcast %and3A_320 : vector<16xi32> to vector<16xf32>
    %get3A_322 = arith.constant 3 : i32
    %get3A_323 = arith.index_cast %get3A_322 : i32 to index
    %get3A_324 = arith.constant 16 : index
    %get3A_325 = tpu.vector_load %arg8[%get3A_323, %get3A_324] {strides = array<i32>} : memref<4x32xf32, #tpu.memory_space<vmem>>, vector<16xf32>,
    %bitcast3A_326 = vector.bitcast %get3A_325 : vector<16xf32> to vector<16xi32>
    %add3A_327 = arith.constant 32767 : i32
    %add3A_328 = vector.broadcast %add3A_327 : i32 to vector<16xi32>
    %add3A_329 = arith.addi %bitcast3A_326, %add3A_328 : vector<16xi32>
    %shift_right_arithmetic3A_330 = arith.constant 16 : i32
    %shift_right_arithmetic3A_331 = vector.broadcast %shift_right_arithmetic3A_330 : i32 to vector<16xi32>
    %shift_right_arithmetic3A_332 = arith.shrsi %bitcast3A_326, %shift_right_arithmetic3A_331 : vector<16xi32>
    %and3A_333 = arith.constant 1 : i32
    %and3A_334 = vector.broadcast %and3A_333 : i32 to vector<16xi32>
    %and3A_335 = arith.andi %shift_right_arithmetic3A_332, %and3A_334 : vector<16xi32>
    %add3A_336 = arith.addi %add3A_329, %and3A_335 : vector<16xi32>
    %and3A_337 = arith.constant -65536 : i32
    %and3A_338 = vector.broadcast %and3A_337 : i32 to vector<16xi32>
    %and3A_339 = arith.andi %add3A_336, %and3A_338 : vector<16xi32>
    %bitcast3A_340 = vector.bitcast %and3A_339 : vector<16xi32> to vector<16xf32>
    %slice3A_341 = vector.extract_strided_slice %bitcast3A_321 {offsets = [0], sizes = [1], strides = [1]} : vector<16xf32> to vector<1xf32>
    %squeeze3A_342 = vector.extract %slice3A_341[0] : f32 from vector<1xf32>
    %slice3A_343 = vector.extract_strided_slice %bitcast3A_321 {offsets = [1], sizes = [1], strides = [1]} : vector<16xf32> to vector<1xf32>
    %squeeze3A_344 = vector.extract %slice3A_343[0] : f32 from vector<1xf32>
    %slice3A_345 = vector.extract_strided_slice %bitcast3A_321 {offsets = [2], sizes = [1], strides = [1]} : vector<16xf32> to vector<1xf32>
    %squeeze3A_346 = vector.extract %slice3A_345[0] : f32 from vector<1xf32>
    %slice3A_347 = vector.extract_strided_slice %bitcast3A_321 {offsets = [3], sizes = [1], strides = [1]} : vector<16xf32> to vector<1xf32>
    %squeeze3A_348 = vector.extract %slice3A_347[0] : f32 from vector<1xf32>
    %slice3A_349 = vector.extract_strided_slice %bitcast3A_321 {offsets = [4], sizes = [1], strides = [1]} : vector<16xf32> to vector<1xf32>
    %squeeze3A_350 = vector.extract %slice3A_349[0] : f32 from vector<1xf32>
    %slice3A_351 = vector.extract_strided_slice %bitcast3A_321 {offsets = [5], sizes = [1], strides = [1]} : vector<16xf32> to vector<1xf32>
    %squeeze3A_352 = vector.extract %slice3A_351[0] : f32 from vector<1xf32>
    %slice3A_353 = vector.extract_strided_slice %bitcast3A_321 {offsets = [6], sizes = [1], strides = [1]} : vector<16xf32> to vector<1xf32>
    %squeeze3A_354 = vector.extract %slice3A_353[0] : f32 from vector<1xf32>
    %slice3A_355 = vector.extract_strided_slice %bitcast3A_321 {offsets = [7], sizes = [1], strides = [1]} : vector<16xf32> to vector<1xf32>
    %squeeze3A_356 = vector.extract %slice3A_355[0] : f32 from vector<1xf32>
    %slice3A_357 = vector.extract_strided_slice %bitcast3A_321 {offsets = [8], sizes = [1], strides = [1]} : vector<16xf32> to vector<1xf32>
    %squeeze3A_358 = vector.extract %slice3A_357[0] : f32 from vector<1xf32>
    %slice3A_359 = vector.extract_strided_slice %bitcast3A_321 {offsets = [9], sizes = [1], strides = [1]} : vector<16xf32> to vector<1xf32>
    %squeeze3A_360 = vector.extract %slice3A_359[0] : f32 from vector<1xf32>
    %slice3A_361 = vector.extract_strided_slice %bitcast3A_321 {offsets = [10], sizes = [1], strides = [1]} : vector<16xf32> to vector<1xf32>
    %squeeze3A_362 = vector.extract %slice3A_361[0] : f32 from vector<1xf32>
    %slice3A_363 = vector.extract_strided_slice %bitcast3A_321 {offsets = [11], sizes = [1], strides = [1]} : vector<16xf32> to vector<1xf32>
    %squeeze3A_364 = vector.extract %slice3A_363[0] : f32 from vector<1xf32>
    %slice3A_365 = vector.extract_strided_slice %bitcast3A_321 {offsets = [12], sizes = [1], strides = [1]} : vector<16xf32> to vector<1xf32>
    %squeeze3A_366 = vector.extract %slice3A_365[0] : f32 from vector<1xf32>
    %slice3A_367 = vector.extract_strided_slice %bitcast3A_321 {offsets = [13], sizes = [1], strides = [1]} : vector<16xf32> to vector<1xf32>
    %squeeze3A_368 = vector.extract %slice3A_367[0] : f32 from vector<1xf32>
    %slice3A_369 = vector.extract_strided_slice %bitcast3A_321 {offsets = [14], sizes = [1], strides = [1]} : vector<16xf32> to vector<1xf32>
    %squeeze3A_370 = vector.extract %slice3A_369[0] : f32 from vector<1xf32>
    %slice3A_371 = vector.extract_strided_slice %bitcast3A_321 {offsets = [15], sizes = [1], strides = [1]} : vector<16xf32> to vector<1xf32>
    %squeeze3A_372 = vector.extract %slice3A_371[0] : f32 from vector<1xf32>
    %slice3A_373 = vector.extract_strided_slice %bitcast3A_340 {offsets = [0], sizes = [1], strides = [1]} : vector<16xf32> to vector<1xf32>
    %squeeze3A_374 = vector.extract %slice3A_373[0] : f32 from vector<1xf32>
    %slice3A_375 = vector.extract_strided_slice %bitcast3A_340 {offsets = [1], sizes = [1], strides = [1]} : vector<16xf32> to vector<1xf32>
    %squeeze3A_376 = vector.extract %slice3A_375[0] : f32 from vector<1xf32>
    %slice3A_377 = vector.extract_strided_slice %bitcast3A_340 {offsets = [2], sizes = [1], strides = [1]} : vector<16xf32> to vector<1xf32>
    %squeeze3A_378 = vector.extract %slice3A_377[0] : f32 from vector<1xf32>
    %slice3A_379 = vector.extract_strided_slice %bitcast3A_340 {offsets = [3], sizes = [1], strides = [1]} : vector<16xf32> to vector<1xf32>
    %squeeze3A_380 = vector.extract %slice3A_379[0] : f32 from vector<1xf32>
    %slice3A_381 = vector.extract_strided_slice %bitcast3A_340 {offsets = [4], sizes = [1], strides = [1]} : vector<16xf32> to vector<1xf32>
    %squeeze3A_382 = vector.extract %slice3A_381[0] : f32 from vector<1xf32>
    %slice3A_383 = vector.extract_strided_slice %bitcast3A_340 {offsets = [5], sizes = [1], strides = [1]} : vector<16xf32> to vector<1xf32>
    %squeeze3A_384 = vector.extract %slice3A_383[0] : f32 from vector<1xf32>
    %slice3A_385 = vector.extract_strided_slice %bitcast3A_340 {offsets = [6], sizes = [1], strides = [1]} : vector<16xf32> to vector<1xf32>
    %squeeze3A_386 = vector.extract %slice3A_385[0] : f32 from vector<1xf32>
    %slice3A_387 = vector.extract_strided_slice %bitcast3A_340 {offsets = [7], sizes = [1], strides = [1]} : vector<16xf32> to vector<1xf32>
    %squeeze3A_388 = vector.extract %slice3A_387[0] : f32 from vector<1xf32>
    %slice3A_389 = vector.extract_strided_slice %bitcast3A_340 {offsets = [8], sizes = [1], strides = [1]} : vector<16xf32> to vector<1xf32>
    %squeeze3A_390 = vector.extract %slice3A_389[0] : f32 from vector<1xf32>
    %slice3A_391 = vector.extract_strided_slice %bitcast3A_340 {offsets = [9], sizes = [1], strides = [1]} : vector<16xf32> to vector<1xf32>
    %squeeze3A_392 = vector.extract %slice3A_391[0] : f32 from vector<1xf32>
    %slice3A_393 = vector.extract_strided_slice %bitcast3A_340 {offsets = [10], sizes = [1], strides = [1]} : vector<16xf32> to vector<1xf32>
    %squeeze3A_394 = vector.extract %slice3A_393[0] : f32 from vector<1xf32>
    %slice3A_395 = vector.extract_strided_slice %bitcast3A_340 {offsets = [11], sizes = [1], strides = [1]} : vector<16xf32> to vector<1xf32>
    %squeeze3A_396 = vector.extract %slice3A_395[0] : f32 from vector<1xf32>
    %slice3A_397 = vector.extract_strided_slice %bitcast3A_340 {offsets = [12], sizes = [1], strides = [1]} : vector<16xf32> to vector<1xf32>
    %squeeze3A_398 = vector.extract %slice3A_397[0] : f32 from vector<1xf32>
    %slice3A_399 = vector.extract_strided_slice %bitcast3A_340 {offsets = [13], sizes = [1], strides = [1]} : vector<16xf32> to vector<1xf32>
    %squeeze3A_400 = vector.extract %slice3A_399[0] : f32 from vector<1xf32>
    %slice3A_401 = vector.extract_strided_slice %bitcast3A_340 {offsets = [14], sizes = [1], strides = [1]} : vector<16xf32> to vector<1xf32>
    %squeeze3A_402 = vector.extract %slice3A_401[0] : f32 from vector<1xf32>
    %slice3A_403 = vector.extract_strided_slice %bitcast3A_340 {offsets = [15], sizes = [1], strides = [1]} : vector<16xf32> to vector<1xf32>
    %squeeze3A_404 = vector.extract %slice3A_403[0] : f32 from vector<1xf32>
    %scan3A = arith.constant 0 : i32
    %scan3A_405 = arith.constant 0 : i32
    %scan3A_406 = arith.constant 64 : i32
    %scan3A_407 = arith.addi %scan3A_405, %scan3A_406 : i32
    %scan3A_408 = arith.constant 1 : i32
    scf.for %scan3A_410 = %scan3A_405 to %scan3A_407 step %scan3A_408  : i32 {
      %mul3A_411 = arith.constant 16 : i32
      %mul3A_412 = arith.muli %scan3A_410, %mul3A_411 : i32
      %get3A_413 = arith.constant 0 : i32
      %get3A_414 = arith.index_cast %get3A_413 : i32 to index
      %get3A_415 = arith.index_cast %mul3A_412 : i32 to index
      %get3A_416 = tpu.vector_load %arg7[%get3A_414, %get3A_415] {strides = array<i32>} : memref<32x1024xf32, #tpu.memory_space<vmem>>, vector<16xf32>,
      %bitcast3A_417 = vector.bitcast %get3A_416 : vector<16xf32> to vector<16xi32>
      %add3A_418 = arith.constant 32767 : i32
      %add3A_419 = vector.broadcast %add3A_418 : i32 to vector<16xi32>
      %add3A_420 = arith.addi %bitcast3A_417, %add3A_419 : vector<16xi32>
      %shift_right_arithmetic3A_421 = arith.constant 16 : i32
      %shift_right_arithmetic3A_422 = vector.broadcast %shift_right_arithmetic3A_421 : i32 to vector<16xi32>
      %shift_right_arithmetic3A_423 = arith.shrsi %bitcast3A_417, %shift_right_arithmetic3A_422 : vector<16xi32>
      %and3A_424 = arith.constant 1 : i32
      %and3A_425 = vector.broadcast %and3A_424 : i32 to vector<16xi32>
      %and3A_426 = arith.andi %shift_right_arithmetic3A_423, %and3A_425 : vector<16xi32>
      %add3A_427 = arith.addi %add3A_420, %and3A_426 : vector<16xi32>
      %and3A_428 = arith.constant -65536 : i32
      %and3A_429 = vector.broadcast %and3A_428 : i32 to vector<16xi32>
      %and3A_430 = arith.andi %add3A_427, %and3A_429 : vector<16xi32>
      %bitcast3A_431 = vector.bitcast %and3A_430 : vector<16xi32> to vector<16xf32>
      %get3A_432 = arith.constant 1 : i32
      %get3A_433 = arith.index_cast %get3A_432 : i32 to index
      %get3A_434 = arith.index_cast %mul3A_412 : i32 to index
      %get3A_435 = tpu.vector_load %arg7[%get3A_433, %get3A_434] {strides = array<i32>} : memref<32x1024xf32, #tpu.memory_space<vmem>>, vector<16xf32>,
      %bitcast3A_436 = vector.bitcast %get3A_435 : vector<16xf32> to vector<16xi32>
      %add3A_437 = arith.constant 32767 : i32
      %add3A_438 = vector.broadcast %add3A_437 : i32 to vector<16xi32>
      %add3A_439 = arith.addi %bitcast3A_436, %add3A_438 : vector<16xi32>
      %shift_right_arithmetic3A_440 = arith.constant 16 : i32
      %shift_right_arithmetic3A_441 = vector.broadcast %shift_right_arithmetic3A_440 : i32 to vector<16xi32>
      %shift_right_arithmetic3A_442 = arith.shrsi %bitcast3A_436, %shift_right_arithmetic3A_441 : vector<16xi32>
      %and3A_443 = arith.constant 1 : i32
      %and3A_444 = vector.broadcast %and3A_443 : i32 to vector<16xi32>
      %and3A_445 = arith.andi %shift_right_arithmetic3A_442, %and3A_444 : vector<16xi32>
      %add3A_446 = arith.addi %add3A_439, %and3A_445 : vector<16xi32>
      %and3A_447 = arith.constant -65536 : i32
      %and3A_448 = vector.broadcast %and3A_447 : i32 to vector<16xi32>
      %and3A_449 = arith.andi %add3A_446, %and3A_448 : vector<16xi32>
      %bitcast3A_450 = vector.bitcast %and3A_449 : vector<16xi32> to vector<16xf32>
      %get3A_451 = arith.constant 2 : i32
      %get3A_452 = arith.index_cast %get3A_451 : i32 to index
      %get3A_453 = arith.index_cast %mul3A_412 : i32 to index
      %get3A_454 = tpu.vector_load %arg7[%get3A_452, %get3A_453] {strides = array<i32>} : memref<32x1024xf32, #tpu.memory_space<vmem>>, vector<16xf32>,
      %bitcast3A_455 = vector.bitcast %get3A_454 : vector<16xf32> to vector<16xi32>
      %add3A_456 = arith.constant 32767 : i32
      %add3A_457 = vector.broadcast %add3A_456 : i32 to vector<16xi32>
      %add3A_458 = arith.addi %bitcast3A_455, %add3A_457 : vector<16xi32>
      %shift_right_arithmetic3A_459 = arith.constant 16 : i32
      %shift_right_arithmetic3A_460 = vector.broadcast %shift_right_arithmetic3A_459 : i32 to vector<16xi32>
      %shift_right_arithmetic3A_461 = arith.shrsi %bitcast3A_455, %shift_right_arithmetic3A_460 : vector<16xi32>
      %and3A_462 = arith.constant 1 : i32
      %and3A_463 = vector.broadcast %and3A_462 : i32 to vector<16xi32>
      %and3A_464 = arith.andi %shift_right_arithmetic3A_461, %and3A_463 : vector<16xi32>
      %add3A_465 = arith.addi %add3A_458, %and3A_464 : vector<16xi32>
      %and3A_466 = arith.constant -65536 : i32
      %and3A_467 = vector.broadcast %and3A_466 : i32 to vector<16xi32>
      %and3A_468 = arith.andi %add3A_465, %and3A_467 : vector<16xi32>
      %bitcast3A_469 = vector.bitcast %and3A_468 : vector<16xi32> to vector<16xf32>
      %get3A_470 = arith.constant 3 : i32
      %get3A_471 = arith.index_cast %get3A_470 : i32 to index
      %get3A_472 = arith.index_cast %mul3A_412 : i32 to index
      %get3A_473 = tpu.vector_load %arg7[%get3A_471, %get3A_472] {strides = array<i32>} : memref<32x1024xf32, #tpu.memory_space<vmem>>, vector<16xf32>,
      %bitcast3A_474 = vector.bitcast %get3A_473 : vector<16xf32> to vector<16xi32>
      %add3A_475 = arith.constant 32767 : i32
      %add3A_476 = vector.broadcast %add3A_475 : i32 to vector<16xi32>
      %add3A_477 = arith.addi %bitcast3A_474, %add3A_476 : vector<16xi32>
      %shift_right_arithmetic3A_478 = arith.constant 16 : i32
      %shift_right_arithmetic3A_479 = vector.broadcast %shift_right_arithmetic3A_478 : i32 to vector<16xi32>
      %shift_right_arithmetic3A_480 = arith.shrsi %bitcast3A_474, %shift_right_arithmetic3A_479 : vector<16xi32>
      %and3A_481 = arith.constant 1 : i32
      %and3A_482 = vector.broadcast %and3A_481 : i32 to vector<16xi32>
      %and3A_483 = arith.andi %shift_right_arithmetic3A_480, %and3A_482 : vector<16xi32>
      %add3A_484 = arith.addi %add3A_477, %and3A_483 : vector<16xi32>
      %and3A_485 = arith.constant -65536 : i32
      %and3A_486 = vector.broadcast %and3A_485 : i32 to vector<16xi32>
      %and3A_487 = arith.andi %add3A_484, %and3A_486 : vector<16xi32>
      %bitcast3A_488 = vector.bitcast %and3A_487 : vector<16xi32> to vector<16xf32>
      %get3A_489 = arith.constant 4 : i32
      %get3A_490 = arith.index_cast %get3A_489 : i32 to index
      %get3A_491 = arith.index_cast %mul3A_412 : i32 to index
      %get3A_492 = tpu.vector_load %arg7[%get3A_490, %get3A_491] {strides = array<i32>} : memref<32x1024xf32, #tpu.memory_space<vmem>>, vector<16xf32>,
      %bitcast3A_493 = vector.bitcast %get3A_492 : vector<16xf32> to vector<16xi32>
      %add3A_494 = arith.constant 32767 : i32
      %add3A_495 = vector.broadcast %add3A_494 : i32 to vector<16xi32>
      %add3A_496 = arith.addi %bitcast3A_493, %add3A_495 : vector<16xi32>
      %shift_right_arithmetic3A_497 = arith.constant 16 : i32
      %shift_right_arithmetic3A_498 = vector.broadcast %shift_right_arithmetic3A_497 : i32 to vector<16xi32>
      %shift_right_arithmetic3A_499 = arith.shrsi %bitcast3A_493, %shift_right_arithmetic3A_498 : vector<16xi32>
      %and3A_500 = arith.constant 1 : i32
      %and3A_501 = vector.broadcast %and3A_500 : i32 to vector<16xi32>
      %and3A_502 = arith.andi %shift_right_arithmetic3A_499, %and3A_501 : vector<16xi32>
      %add3A_503 = arith.addi %add3A_496, %and3A_502 : vector<16xi32>
      %and3A_504 = arith.constant -65536 : i32
      %and3A_505 = vector.broadcast %and3A_504 : i32 to vector<16xi32>
      %and3A_506 = arith.andi %add3A_503, %and3A_505 : vector<16xi32>
      %bitcast3A_507 = vector.bitcast %and3A_506 : vector<16xi32> to vector<16xf32>
      %get3A_508 = arith.constant 5 : i32
      %get3A_509 = arith.index_cast %get3A_508 : i32 to index
      %get3A_510 = arith.index_cast %mul3A_412 : i32 to index
      %get3A_511 = tpu.vector_load %arg7[%get3A_509, %get3A_510] {strides = array<i32>} : memref<32x1024xf32, #tpu.memory_space<vmem>>, vector<16xf32>,
      %bitcast3A_512 = vector.bitcast %get3A_511 : vector<16xf32> to vector<16xi32>
      %add3A_513 = arith.constant 32767 : i32
      %add3A_514 = vector.broadcast %add3A_513 : i32 to vector<16xi32>
      %add3A_515 = arith.addi %bitcast3A_512, %add3A_514 : vector<16xi32>
      %shift_right_arithmetic3A_516 = arith.constant 16 : i32
      %shift_right_arithmetic3A_517 = vector.broadcast %shift_right_arithmetic3A_516 : i32 to vector<16xi32>
      %shift_right_arithmetic3A_518 = arith.shrsi %bitcast3A_512, %shift_right_arithmetic3A_517 : vector<16xi32>
      %and3A_519 = arith.constant 1 : i32
      %and3A_520 = vector.broadcast %and3A_519 : i32 to vector<16xi32>
      %and3A_521 = arith.andi %shift_right_arithmetic3A_518, %and3A_520 : vector<16xi32>
      %add3A_522 = arith.addi %add3A_515, %and3A_521 : vector<16xi32>
      %and3A_523 = arith.constant -65536 : i32
      %and3A_524 = vector.broadcast %and3A_523 : i32 to vector<16xi32>
      %and3A_525 = arith.andi %add3A_522, %and3A_524 : vector<16xi32>
      %bitcast3A_526 = vector.bitcast %and3A_525 : vector<16xi32> to vector<16xf32>
      %get3A_527 = arith.constant 6 : i32
      %get3A_528 = arith.index_cast %get3A_527 : i32 to index
      %get3A_529 = arith.index_cast %mul3A_412 : i32 to index
      %get3A_530 = tpu.vector_load %arg7[%get3A_528, %get3A_529] {strides = array<i32>} : memref<32x1024xf32, #tpu.memory_space<vmem>>, vector<16xf32>,
      %bitcast3A_531 = vector.bitcast %get3A_530 : vector<16xf32> to vector<16xi32>
      %add3A_532 = arith.constant 32767 : i32
      %add3A_533 = vector.broadcast %add3A_532 : i32 to vector<16xi32>
      %add3A_534 = arith.addi %bitcast3A_531, %add3A_533 : vector<16xi32>
      %shift_right_arithmetic3A_535 = arith.constant 16 : i32
      %shift_right_arithmetic3A_536 = vector.broadcast %shift_right_arithmetic3A_535 : i32 to vector<16xi32>
      %shift_right_arithmetic3A_537 = arith.shrsi %bitcast3A_531, %shift_right_arithmetic3A_536 : vector<16xi32>
      %and3A_538 = arith.constant 1 : i32
      %and3A_539 = vector.broadcast %and3A_538 : i32 to vector<16xi32>
      %and3A_540 = arith.andi %shift_right_arithmetic3A_537, %and3A_539 : vector<16xi32>
      %add3A_541 = arith.addi %add3A_534, %and3A_540 : vector<16xi32>
      %and3A_542 = arith.constant -65536 : i32
      %and3A_543 = vector.broadcast %and3A_542 : i32 to vector<16xi32>
      %and3A_544 = arith.andi %add3A_541, %and3A_543 : vector<16xi32>
      %bitcast3A_545 = vector.bitcast %and3A_544 : vector<16xi32> to vector<16xf32>
      %get3A_546 = arith.constant 7 : i32
      %get3A_547 = arith.index_cast %get3A_546 : i32 to index
      %get3A_548 = arith.index_cast %mul3A_412 : i32 to index
      %get3A_549 = tpu.vector_load %arg7[%get3A_547, %get3A_548] {strides = array<i32>} : memref<32x1024xf32, #tpu.memory_space<vmem>>, vector<16xf32>,
      %bitcast3A_550 = vector.bitcast %get3A_549 : vector<16xf32> to vector<16xi32>
      %add3A_551 = arith.constant 32767 : i32
      %add3A_552 = vector.broadcast %add3A_551 : i32 to vector<16xi32>
      %add3A_553 = arith.addi %bitcast3A_550, %add3A_552 : vector<16xi32>
      %shift_right_arithmetic3A_554 = arith.constant 16 : i32
      %shift_right_arithmetic3A_555 = vector.broadcast %shift_right_arithmetic3A_554 : i32 to vector<16xi32>
      %shift_right_arithmetic3A_556 = arith.shrsi %bitcast3A_550, %shift_right_arithmetic3A_555 : vector<16xi32>
      %and3A_557 = arith.constant 1 : i32
      %and3A_558 = vector.broadcast %and3A_557 : i32 to vector<16xi32>
      %and3A_559 = arith.andi %shift_right_arithmetic3A_556, %and3A_558 : vector<16xi32>
      %add3A_560 = arith.addi %add3A_553, %and3A_559 : vector<16xi32>
      %and3A_561 = arith.constant -65536 : i32
      %and3A_562 = vector.broadcast %and3A_561 : i32 to vector<16xi32>
      %and3A_563 = arith.andi %add3A_560, %and3A_562 : vector<16xi32>
      %bitcast3A_564 = vector.bitcast %and3A_563 : vector<16xi32> to vector<16xf32>
      %get3A_565 = arith.constant 8 : i32
      %get3A_566 = arith.index_cast %get3A_565 : i32 to index
      %get3A_567 = arith.index_cast %mul3A_412 : i32 to index
      %get3A_568 = tpu.vector_load %arg7[%get3A_566, %get3A_567] {strides = array<i32>} : memref<32x1024xf32, #tpu.memory_space<vmem>>, vector<16xf32>,
      %bitcast3A_569 = vector.bitcast %get3A_568 : vector<16xf32> to vector<16xi32>
      %add3A_570 = arith.constant 32767 : i32
      %add3A_571 = vector.broadcast %add3A_570 : i32 to vector<16xi32>
      %add3A_572 = arith.addi %bitcast3A_569, %add3A_571 : vector<16xi32>
      %shift_right_arithmetic3A_573 = arith.constant 16 : i32
      %shift_right_arithmetic3A_574 = vector.broadcast %shift_right_arithmetic3A_573 : i32 to vector<16xi32>
      %shift_right_arithmetic3A_575 = arith.shrsi %bitcast3A_569, %shift_right_arithmetic3A_574 : vector<16xi32>
      %and3A_576 = arith.constant 1 : i32
      %and3A_577 = vector.broadcast %and3A_576 : i32 to vector<16xi32>
      %and3A_578 = arith.andi %shift_right_arithmetic3A_575, %and3A_577 : vector<16xi32>
      %add3A_579 = arith.addi %add3A_572, %and3A_578 : vector<16xi32>
      %and3A_580 = arith.constant -65536 : i32
      %and3A_581 = vector.broadcast %and3A_580 : i32 to vector<16xi32>
      %and3A_582 = arith.andi %add3A_579, %and3A_581 : vector<16xi32>
      %bitcast3A_583 = vector.bitcast %and3A_582 : vector<16xi32> to vector<16xf32>
      %get3A_584 = arith.constant 9 : i32
      %get3A_585 = arith.index_cast %get3A_584 : i32 to index
      %get3A_586 = arith.index_cast %mul3A_412 : i32 to index
      %get3A_587 = tpu.vector_load %arg7[%get3A_585, %get3A_586] {strides = array<i32>} : memref<32x1024xf32, #tpu.memory_space<vmem>>, vector<16xf32>,
      %bitcast3A_588 = vector.bitcast %get3A_587 : vector<16xf32> to vector<16xi32>
      %add3A_589 = arith.constant 32767 : i32
      %add3A_590 = vector.broadcast %add3A_589 : i32 to vector<16xi32>
      %add3A_591 = arith.addi %bitcast3A_588, %add3A_590 : vector<16xi32>
      %shift_right_arithmetic3A_592 = arith.constant 16 : i32
      %shift_right_arithmetic3A_593 = vector.broadcast %shift_right_arithmetic3A_592 : i32 to vector<16xi32>
      %shift_right_arithmetic3A_594 = arith.shrsi %bitcast3A_588, %shift_right_arithmetic3A_593 : vector<16xi32>
      %and3A_595 = arith.constant 1 : i32
      %and3A_596 = vector.broadcast %and3A_595 : i32 to vector<16xi32>
      %and3A_597 = arith.andi %shift_right_arithmetic3A_594, %and3A_596 : vector<16xi32>
      %add3A_598 = arith.addi %add3A_591, %and3A_597 : vector<16xi32>
      %and3A_599 = arith.constant -65536 : i32
      %and3A_600 = vector.broadcast %and3A_599 : i32 to vector<16xi32>
      %and3A_601 = arith.andi %add3A_598, %and3A_600 : vector<16xi32>
      %bitcast3A_602 = vector.bitcast %and3A_601 : vector<16xi32> to vector<16xf32>
      %get3A_603 = arith.constant 10 : i32
      %get3A_604 = arith.index_cast %get3A_603 : i32 to index
      %get3A_605 = arith.index_cast %mul3A_412 : i32 to index
      %get3A_606 = tpu.vector_load %arg7[%get3A_604, %get3A_605] {strides = array<i32>} : memref<32x1024xf32, #tpu.memory_space<vmem>>, vector<16xf32>,
      %bitcast3A_607 = vector.bitcast %get3A_606 : vector<16xf32> to vector<16xi32>
      %add3A_608 = arith.constant 32767 : i32
      %add3A_609 = vector.broadcast %add3A_608 : i32 to vector<16xi32>
      %add3A_610 = arith.addi %bitcast3A_607, %add3A_609 : vector<16xi32>
      %shift_right_arithmetic3A_611 = arith.constant 16 : i32
      %shift_right_arithmetic3A_612 = vector.broadcast %shift_right_arithmetic3A_611 : i32 to vector<16xi32>
      %shift_right_arithmetic3A_613 = arith.shrsi %bitcast3A_607, %shift_right_arithmetic3A_612 : vector<16xi32>
      %and3A_614 = arith.constant 1 : i32
      %and3A_615 = vector.broadcast %and3A_614 : i32 to vector<16xi32>
      %and3A_616 = arith.andi %shift_right_arithmetic3A_613, %and3A_615 : vector<16xi32>
      %add3A_617 = arith.addi %add3A_610, %and3A_616 : vector<16xi32>
      %and3A_618 = arith.constant -65536 : i32
      %and3A_619 = vector.broadcast %and3A_618 : i32 to vector<16xi32>
      %and3A_620 = arith.andi %add3A_617, %and3A_619 : vector<16xi32>
      %bitcast3A_621 = vector.bitcast %and3A_620 : vector<16xi32> to vector<16xf32>
      %get3A_622 = arith.constant 11 : i32
      %get3A_623 = arith.index_cast %get3A_622 : i32 to index
      %get3A_624 = arith.index_cast %mul3A_412 : i32 to index
      %get3A_625 = tpu.vector_load %arg7[%get3A_623, %get3A_624] {strides = array<i32>} : memref<32x1024xf32, #tpu.memory_space<vmem>>, vector<16xf32>,
      %bitcast3A_626 = vector.bitcast %get3A_625 : vector<16xf32> to vector<16xi32>
      %add3A_627 = arith.constant 32767 : i32
      %add3A_628 = vector.broadcast %add3A_627 : i32 to vector<16xi32>
      %add3A_629 = arith.addi %bitcast3A_626, %add3A_628 : vector<16xi32>
      %shift_right_arithmetic3A_630 = arith.constant 16 : i32
      %shift_right_arithmetic3A_631 = vector.broadcast %shift_right_arithmetic3A_630 : i32 to vector<16xi32>
      %shift_right_arithmetic3A_632 = arith.shrsi %bitcast3A_626, %shift_right_arithmetic3A_631 : vector<16xi32>
      %and3A_633 = arith.constant 1 : i32
      %and3A_634 = vector.broadcast %and3A_633 : i32 to vector<16xi32>
      %and3A_635 = arith.andi %shift_right_arithmetic3A_632, %and3A_634 : vector<16xi32>
      %add3A_636 = arith.addi %add3A_629, %and3A_635 : vector<16xi32>
      %and3A_637 = arith.constant -65536 : i32
      %and3A_638 = vector.broadcast %and3A_637 : i32 to vector<16xi32>
      %and3A_639 = arith.andi %add3A_636, %and3A_638 : vector<16xi32>
      %bitcast3A_640 = vector.bitcast %and3A_639 : vector<16xi32> to vector<16xf32>
      %get3A_641 = arith.constant 12 : i32
      %get3A_642 = arith.index_cast %get3A_641 : i32 to index
      %get3A_643 = arith.index_cast %mul3A_412 : i32 to index
      %get3A_644 = tpu.vector_load %arg7[%get3A_642, %get3A_643] {strides = array<i32>} : memref<32x1024xf32, #tpu.memory_space<vmem>>, vector<16xf32>,
      %bitcast3A_645 = vector.bitcast %get3A_644 : vector<16xf32> to vector<16xi32>
      %add3A_646 = arith.constant 32767 : i32
      %add3A_647 = vector.broadcast %add3A_646 : i32 to vector<16xi32>
      %add3A_648 = arith.addi %bitcast3A_645, %add3A_647 : vector<16xi32>
      %shift_right_arithmetic3A_649 = arith.constant 16 : i32
      %shift_right_arithmetic3A_650 = vector.broadcast %shift_right_arithmetic3A_649 : i32 to vector<16xi32>
      %shift_right_arithmetic3A_651 = arith.shrsi %bitcast3A_645, %shift_right_arithmetic3A_650 : vector<16xi32>
      %and3A_652 = arith.constant 1 : i32
      %and3A_653 = vector.broadcast %and3A_652 : i32 to vector<16xi32>
      %and3A_654 = arith.andi %shift_right_arithmetic3A_651, %and3A_653 : vector<16xi32>
      %add3A_655 = arith.addi %add3A_648, %and3A_654 : vector<16xi32>
      %and3A_656 = arith.constant -65536 : i32
      %and3A_657 = vector.broadcast %and3A_656 : i32 to vector<16xi32>
      %and3A_658 = arith.andi %add3A_655, %and3A_657 : vector<16xi32>
      %bitcast3A_659 = vector.bitcast %and3A_658 : vector<16xi32> to vector<16xf32>
      %get3A_660 = arith.constant 13 : i32
      %get3A_661 = arith.index_cast %get3A_660 : i32 to index
      %get3A_662 = arith.index_cast %mul3A_412 : i32 to index
      %get3A_663 = tpu.vector_load %arg7[%get3A_661, %get3A_662] {strides = array<i32>} : memref<32x1024xf32, #tpu.memory_space<vmem>>, vector<16xf32>,
      %bitcast3A_664 = vector.bitcast %get3A_663 : vector<16xf32> to vector<16xi32>
      %add3A_665 = arith.constant 32767 : i32
      %add3A_666 = vector.broadcast %add3A_665 : i32 to vector<16xi32>
      %add3A_667 = arith.addi %bitcast3A_664, %add3A_666 : vector<16xi32>
      %shift_right_arithmetic3A_668 = arith.constant 16 : i32
      %shift_right_arithmetic3A_669 = vector.broadcast %shift_right_arithmetic3A_668 : i32 to vector<16xi32>
      %shift_right_arithmetic3A_670 = arith.shrsi %bitcast3A_664, %shift_right_arithmetic3A_669 : vector<16xi32>
      %and3A_671 = arith.constant 1 : i32
      %and3A_672 = vector.broadcast %and3A_671 : i32 to vector<16xi32>
      %and3A_673 = arith.andi %shift_right_arithmetic3A_670, %and3A_672 : vector<16xi32>
      %add3A_674 = arith.addi %add3A_667, %and3A_673 : vector<16xi32>
      %and3A_675 = arith.constant -65536 : i32
      %and3A_676 = vector.broadcast %and3A_675 : i32 to vector<16xi32>
      %and3A_677 = arith.andi %add3A_674, %and3A_676 : vector<16xi32>
      %bitcast3A_678 = vector.bitcast %and3A_677 : vector<16xi32> to vector<16xf32>
      %get3A_679 = arith.constant 14 : i32
      %get3A_680 = arith.index_cast %get3A_679 : i32 to index
      %get3A_681 = arith.index_cast %mul3A_412 : i32 to index
      %get3A_682 = tpu.vector_load %arg7[%get3A_680, %get3A_681] {strides = array<i32>} : memref<32x1024xf32, #tpu.memory_space<vmem>>, vector<16xf32>,
      %bitcast3A_683 = vector.bitcast %get3A_682 : vector<16xf32> to vector<16xi32>
      %add3A_684 = arith.constant 32767 : i32
      %add3A_685 = vector.broadcast %add3A_684 : i32 to vector<16xi32>
      %add3A_686 = arith.addi %bitcast3A_683, %add3A_685 : vector<16xi32>
      %shift_right_arithmetic3A_687 = arith.constant 16 : i32
      %shift_right_arithmetic3A_688 = vector.broadcast %shift_right_arithmetic3A_687 : i32 to vector<16xi32>
      %shift_right_arithmetic3A_689 = arith.shrsi %bitcast3A_683, %shift_right_arithmetic3A_688 : vector<16xi32>
      %and3A_690 = arith.constant 1 : i32
      %and3A_691 = vector.broadcast %and3A_690 : i32 to vector<16xi32>
      %and3A_692 = arith.andi %shift_right_arithmetic3A_689, %and3A_691 : vector<16xi32>
      %add3A_693 = arith.addi %add3A_686, %and3A_692 : vector<16xi32>
      %and3A_694 = arith.constant -65536 : i32
      %and3A_695 = vector.broadcast %and3A_694 : i32 to vector<16xi32>
      %and3A_696 = arith.andi %add3A_693, %and3A_695 : vector<16xi32>
      %bitcast3A_697 = vector.bitcast %and3A_696 : vector<16xi32> to vector<16xf32>
      %get3A_698 = arith.constant 15 : i32
      %get3A_699 = arith.index_cast %get3A_698 : i32 to index
      %get3A_700 = arith.index_cast %mul3A_412 : i32 to index
      %get3A_701 = tpu.vector_load %arg7[%get3A_699, %get3A_700] {strides = array<i32>} : memref<32x1024xf32, #tpu.memory_space<vmem>>, vector<16xf32>,
      %bitcast3A_702 = vector.bitcast %get3A_701 : vector<16xf32> to vector<16xi32>
      %add3A_703 = arith.constant 32767 : i32
      %add3A_704 = vector.broadcast %add3A_703 : i32 to vector<16xi32>
      %add3A_705 = arith.addi %bitcast3A_702, %add3A_704 : vector<16xi32>
      %shift_right_arithmetic3A_706 = arith.constant 16 : i32
      %shift_right_arithmetic3A_707 = vector.broadcast %shift_right_arithmetic3A_706 : i32 to vector<16xi32>
      %shift_right_arithmetic3A_708 = arith.shrsi %bitcast3A_702, %shift_right_arithmetic3A_707 : vector<16xi32>
      %and3A_709 = arith.constant 1 : i32
      %and3A_710 = vector.broadcast %and3A_709 : i32 to vector<16xi32>
      %and3A_711 = arith.andi %shift_right_arithmetic3A_708, %and3A_710 : vector<16xi32>
      %add3A_712 = arith.addi %add3A_705, %and3A_711 : vector<16xi32>
      %and3A_713 = arith.constant -65536 : i32
      %and3A_714 = vector.broadcast %and3A_713 : i32 to vector<16xi32>
      %and3A_715 = arith.andi %add3A_712, %and3A_714 : vector<16xi32>
      %bitcast3A_716 = vector.bitcast %and3A_715 : vector<16xi32> to vector<16xf32>
      %get3A_717 = arith.constant 16 : i32
      %get3A_718 = arith.index_cast %get3A_717 : i32 to index
      %get3A_719 = arith.index_cast %mul3A_412 : i32 to index
      %get3A_720 = tpu.vector_load %arg7[%get3A_718, %get3A_719] {strides = array<i32>} : memref<32x1024xf32, #tpu.memory_space<vmem>>, vector<16xf32>,
      %bitcast3A_721 = vector.bitcast %get3A_720 : vector<16xf32> to vector<16xi32>
      %add3A_722 = arith.constant 32767 : i32
      %add3A_723 = vector.broadcast %add3A_722 : i32 to vector<16xi32>
      %add3A_724 = arith.addi %bitcast3A_721, %add3A_723 : vector<16xi32>
      %shift_right_arithmetic3A_725 = arith.constant 16 : i32
      %shift_right_arithmetic3A_726 = vector.broadcast %shift_right_arithmetic3A_725 : i32 to vector<16xi32>
      %shift_right_arithmetic3A_727 = arith.shrsi %bitcast3A_721, %shift_right_arithmetic3A_726 : vector<16xi32>
      %and3A_728 = arith.constant 1 : i32
      %and3A_729 = vector.broadcast %and3A_728 : i32 to vector<16xi32>
      %and3A_730 = arith.andi %shift_right_arithmetic3A_727, %and3A_729 : vector<16xi32>
      %add3A_731 = arith.addi %add3A_724, %and3A_730 : vector<16xi32>
      %and3A_732 = arith.constant -65536 : i32
      %and3A_733 = vector.broadcast %and3A_732 : i32 to vector<16xi32>
      %and3A_734 = arith.andi %add3A_731, %and3A_733 : vector<16xi32>
      %bitcast3A_735 = vector.bitcast %and3A_734 : vector<16xi32> to vector<16xf32>
      %get3A_736 = arith.constant 17 : i32
      %get3A_737 = arith.index_cast %get3A_736 : i32 to index
      %get3A_738 = arith.index_cast %mul3A_412 : i32 to index
      %get3A_739 = tpu.vector_load %arg7[%get3A_737, %get3A_738] {strides = array<i32>} : memref<32x1024xf32, #tpu.memory_space<vmem>>, vector<16xf32>,
      %bitcast3A_740 = vector.bitcast %get3A_739 : vector<16xf32> to vector<16xi32>
      %add3A_741 = arith.constant 32767 : i32
      %add3A_742 = vector.broadcast %add3A_741 : i32 to vector<16xi32>
      %add3A_743 = arith.addi %bitcast3A_740, %add3A_742 : vector<16xi32>
      %shift_right_arithmetic3A_744 = arith.constant 16 : i32
      %shift_right_arithmetic3A_745 = vector.broadcast %shift_right_arithmetic3A_744 : i32 to vector<16xi32>
      %shift_right_arithmetic3A_746 = arith.shrsi %bitcast3A_740, %shift_right_arithmetic3A_745 : vector<16xi32>
      %and3A_747 = arith.constant 1 : i32
      %and3A_748 = vector.broadcast %and3A_747 : i32 to vector<16xi32>
      %and3A_749 = arith.andi %shift_right_arithmetic3A_746, %and3A_748 : vector<16xi32>
      %add3A_750 = arith.addi %add3A_743, %and3A_749 : vector<16xi32>
      %and3A_751 = arith.constant -65536 : i32
      %and3A_752 = vector.broadcast %and3A_751 : i32 to vector<16xi32>
      %and3A_753 = arith.andi %add3A_750, %and3A_752 : vector<16xi32>
      %bitcast3A_754 = vector.bitcast %and3A_753 : vector<16xi32> to vector<16xf32>
      %get3A_755 = arith.constant 18 : i32
      %get3A_756 = arith.index_cast %get3A_755 : i32 to index
      %get3A_757 = arith.index_cast %mul3A_412 : i32 to index
      %get3A_758 = tpu.vector_load %arg7[%get3A_756, %get3A_757] {strides = array<i32>} : memref<32x1024xf32, #tpu.memory_space<vmem>>, vector<16xf32>,
      %bitcast3A_759 = vector.bitcast %get3A_758 : vector<16xf32> to vector<16xi32>
      %add3A_760 = arith.constant 32767 : i32
      %add3A_761 = vector.broadcast %add3A_760 : i32 to vector<16xi32>
      %add3A_762 = arith.addi %bitcast3A_759, %add3A_761 : vector<16xi32>
      %shift_right_arithmetic3A_763 = arith.constant 16 : i32
      %shift_right_arithmetic3A_764 = vector.broadcast %shift_right_arithmetic3A_763 : i32 to vector<16xi32>
      %shift_right_arithmetic3A_765 = arith.shrsi %bitcast3A_759, %shift_right_arithmetic3A_764 : vector<16xi32>
      %and3A_766 = arith.constant 1 : i32
      %and3A_767 = vector.broadcast %and3A_766 : i32 to vector<16xi32>
      %and3A_768 = arith.andi %shift_right_arithmetic3A_765, %and3A_767 : vector<16xi32>
      %add3A_769 = arith.addi %add3A_762, %and3A_768 : vector<16xi32>
      %and3A_770 = arith.constant -65536 : i32
      %and3A_771 = vector.broadcast %and3A_770 : i32 to vector<16xi32>
      %and3A_772 = arith.andi %add3A_769, %and3A_771 : vector<16xi32>
      %bitcast3A_773 = vector.bitcast %and3A_772 : vector<16xi32> to vector<16xf32>
      %get3A_774 = arith.constant 19 : i32
      %get3A_775 = arith.index_cast %get3A_774 : i32 to index
      %get3A_776 = arith.index_cast %mul3A_412 : i32 to index
      %get3A_777 = tpu.vector_load %arg7[%get3A_775, %get3A_776] {strides = array<i32>} : memref<32x1024xf32, #tpu.memory_space<vmem>>, vector<16xf32>,
      %bitcast3A_778 = vector.bitcast %get3A_777 : vector<16xf32> to vector<16xi32>
      %add3A_779 = arith.constant 32767 : i32
      %add3A_780 = vector.broadcast %add3A_779 : i32 to vector<16xi32>
      %add3A_781 = arith.addi %bitcast3A_778, %add3A_780 : vector<16xi32>
      %shift_right_arithmetic3A_782 = arith.constant 16 : i32
      %shift_right_arithmetic3A_783 = vector.broadcast %shift_right_arithmetic3A_782 : i32 to vector<16xi32>
      %shift_right_arithmetic3A_784 = arith.shrsi %bitcast3A_778, %shift_right_arithmetic3A_783 : vector<16xi32>
      %and3A_785 = arith.constant 1 : i32
      %and3A_786 = vector.broadcast %and3A_785 : i32 to vector<16xi32>
      %and3A_787 = arith.andi %shift_right_arithmetic3A_784, %and3A_786 : vector<16xi32>
      %add3A_788 = arith.addi %add3A_781, %and3A_787 : vector<16xi32>
      %and3A_789 = arith.constant -65536 : i32
      %and3A_790 = vector.broadcast %and3A_789 : i32 to vector<16xi32>
      %and3A_791 = arith.andi %add3A_788, %and3A_790 : vector<16xi32>
      %bitcast3A_792 = vector.bitcast %and3A_791 : vector<16xi32> to vector<16xf32>
      %get3A_793 = arith.constant 20 : i32
      %get3A_794 = arith.index_cast %get3A_793 : i32 to index
      %get3A_795 = arith.index_cast %mul3A_412 : i32 to index
      %get3A_796 = tpu.vector_load %arg7[%get3A_794, %get3A_795] {strides = array<i32>} : memref<32x1024xf32, #tpu.memory_space<vmem>>, vector<16xf32>,
      %bitcast3A_797 = vector.bitcast %get3A_796 : vector<16xf32> to vector<16xi32>
      %add3A_798 = arith.constant 32767 : i32
      %add3A_799 = vector.broadcast %add3A_798 : i32 to vector<16xi32>
      %add3A_800 = arith.addi %bitcast3A_797, %add3A_799 : vector<16xi32>
      %shift_right_arithmetic3A_801 = arith.constant 16 : i32
      %shift_right_arithmetic3A_802 = vector.broadcast %shift_right_arithmetic3A_801 : i32 to vector<16xi32>
      %shift_right_arithmetic3A_803 = arith.shrsi %bitcast3A_797, %shift_right_arithmetic3A_802 : vector<16xi32>
      %and3A_804 = arith.constant 1 : i32
      %and3A_805 = vector.broadcast %and3A_804 : i32 to vector<16xi32>
      %and3A_806 = arith.andi %shift_right_arithmetic3A_803, %and3A_805 : vector<16xi32>
      %add3A_807 = arith.addi %add3A_800, %and3A_806 : vector<16xi32>
      %and3A_808 = arith.constant -65536 : i32
      %and3A_809 = vector.broadcast %and3A_808 : i32 to vector<16xi32>
      %and3A_810 = arith.andi %add3A_807, %and3A_809 : vector<16xi32>
      %bitcast3A_811 = vector.bitcast %and3A_810 : vector<16xi32> to vector<16xf32>
      %get3A_812 = arith.constant 21 : i32
      %get3A_813 = arith.index_cast %get3A_812 : i32 to index
      %get3A_814 = arith.index_cast %mul3A_412 : i32 to index
      %get3A_815 = tpu.vector_load %arg7[%get3A_813, %get3A_814] {strides = array<i32>} : memref<32x1024xf32, #tpu.memory_space<vmem>>, vector<16xf32>,
      %bitcast3A_816 = vector.bitcast %get3A_815 : vector<16xf32> to vector<16xi32>
      %add3A_817 = arith.constant 32767 : i32
      %add3A_818 = vector.broadcast %add3A_817 : i32 to vector<16xi32>
      %add3A_819 = arith.addi %bitcast3A_816, %add3A_818 : vector<16xi32>
      %shift_right_arithmetic3A_820 = arith.constant 16 : i32
      %shift_right_arithmetic3A_821 = vector.broadcast %shift_right_arithmetic3A_820 : i32 to vector<16xi32>
      %shift_right_arithmetic3A_822 = arith.shrsi %bitcast3A_816, %shift_right_arithmetic3A_821 : vector<16xi32>
      %and3A_823 = arith.constant 1 : i32
      %and3A_824 = vector.broadcast %and3A_823 : i32 to vector<16xi32>
      %and3A_825 = arith.andi %shift_right_arithmetic3A_822, %and3A_824 : vector<16xi32>
      %add3A_826 = arith.addi %add3A_819, %and3A_825 : vector<16xi32>
      %and3A_827 = arith.constant -65536 : i32
      %and3A_828 = vector.broadcast %and3A_827 : i32 to vector<16xi32>
      %and3A_829 = arith.andi %add3A_826, %and3A_828 : vector<16xi32>
      %bitcast3A_830 = vector.bitcast %and3A_829 : vector<16xi32> to vector<16xf32>
      %get3A_831 = arith.constant 22 : i32
      %get3A_832 = arith.index_cast %get3A_831 : i32 to index
      %get3A_833 = arith.index_cast %mul3A_412 : i32 to index
      %get3A_834 = tpu.vector_load %arg7[%get3A_832, %get3A_833] {strides = array<i32>} : memref<32x1024xf32, #tpu.memory_space<vmem>>, vector<16xf32>,
      %bitcast3A_835 = vector.bitcast %get3A_834 : vector<16xf32> to vector<16xi32>
      %add3A_836 = arith.constant 32767 : i32
      %add3A_837 = vector.broadcast %add3A_836 : i32 to vector<16xi32>
      %add3A_838 = arith.addi %bitcast3A_835, %add3A_837 : vector<16xi32>
      %shift_right_arithmetic3A_839 = arith.constant 16 : i32
      %shift_right_arithmetic3A_840 = vector.broadcast %shift_right_arithmetic3A_839 : i32 to vector<16xi32>
      %shift_right_arithmetic3A_841 = arith.shrsi %bitcast3A_835, %shift_right_arithmetic3A_840 : vector<16xi32>
      %and3A_842 = arith.constant 1 : i32
      %and3A_843 = vector.broadcast %and3A_842 : i32 to vector<16xi32>
      %and3A_844 = arith.andi %shift_right_arithmetic3A_841, %and3A_843 : vector<16xi32>
      %add3A_845 = arith.addi %add3A_838, %and3A_844 : vector<16xi32>
      %and3A_846 = arith.constant -65536 : i32
      %and3A_847 = vector.broadcast %and3A_846 : i32 to vector<16xi32>
      %and3A_848 = arith.andi %add3A_845, %and3A_847 : vector<16xi32>
      %bitcast3A_849 = vector.bitcast %and3A_848 : vector<16xi32> to vector<16xf32>
      %get3A_850 = arith.constant 23 : i32
      %get3A_851 = arith.index_cast %get3A_850 : i32 to index
      %get3A_852 = arith.index_cast %mul3A_412 : i32 to index
      %get3A_853 = tpu.vector_load %arg7[%get3A_851, %get3A_852] {strides = array<i32>} : memref<32x1024xf32, #tpu.memory_space<vmem>>, vector<16xf32>,
      %bitcast3A_854 = vector.bitcast %get3A_853 : vector<16xf32> to vector<16xi32>
      %add3A_855 = arith.constant 32767 : i32
      %add3A_856 = vector.broadcast %add3A_855 : i32 to vector<16xi32>
      %add3A_857 = arith.addi %bitcast3A_854, %add3A_856 : vector<16xi32>
      %shift_right_arithmetic3A_858 = arith.constant 16 : i32
      %shift_right_arithmetic3A_859 = vector.broadcast %shift_right_arithmetic3A_858 : i32 to vector<16xi32>
      %shift_right_arithmetic3A_860 = arith.shrsi %bitcast3A_854, %shift_right_arithmetic3A_859 : vector<16xi32>
      %and3A_861 = arith.constant 1 : i32
      %and3A_862 = vector.broadcast %and3A_861 : i32 to vector<16xi32>
      %and3A_863 = arith.andi %shift_right_arithmetic3A_860, %and3A_862 : vector<16xi32>
      %add3A_864 = arith.addi %add3A_857, %and3A_863 : vector<16xi32>
      %and3A_865 = arith.constant -65536 : i32
      %and3A_866 = vector.broadcast %and3A_865 : i32 to vector<16xi32>
      %and3A_867 = arith.andi %add3A_864, %and3A_866 : vector<16xi32>
      %bitcast3A_868 = vector.bitcast %and3A_867 : vector<16xi32> to vector<16xf32>
      %get3A_869 = arith.constant 24 : i32
      %get3A_870 = arith.index_cast %get3A_869 : i32 to index
      %get3A_871 = arith.index_cast %mul3A_412 : i32 to index
      %get3A_872 = tpu.vector_load %arg7[%get3A_870, %get3A_871] {strides = array<i32>} : memref<32x1024xf32, #tpu.memory_space<vmem>>, vector<16xf32>,
      %bitcast3A_873 = vector.bitcast %get3A_872 : vector<16xf32> to vector<16xi32>
      %add3A_874 = arith.constant 32767 : i32
      %add3A_875 = vector.broadcast %add3A_874 : i32 to vector<16xi32>
      %add3A_876 = arith.addi %bitcast3A_873, %add3A_875 : vector<16xi32>
      %shift_right_arithmetic3A_877 = arith.constant 16 : i32
      %shift_right_arithmetic3A_878 = vector.broadcast %shift_right_arithmetic3A_877 : i32 to vector<16xi32>
      %shift_right_arithmetic3A_879 = arith.shrsi %bitcast3A_873, %shift_right_arithmetic3A_878 : vector<16xi32>
      %and3A_880 = arith.constant 1 : i32
      %and3A_881 = vector.broadcast %and3A_880 : i32 to vector<16xi32>
      %and3A_882 = arith.andi %shift_right_arithmetic3A_879, %and3A_881 : vector<16xi32>
      %add3A_883 = arith.addi %add3A_876, %and3A_882 : vector<16xi32>
      %and3A_884 = arith.constant -65536 : i32
      %and3A_885 = vector.broadcast %and3A_884 : i32 to vector<16xi32>
      %and3A_886 = arith.andi %add3A_883, %and3A_885 : vector<16xi32>
      %bitcast3A_887 = vector.bitcast %and3A_886 : vector<16xi32> to vector<16xf32>
      %get3A_888 = arith.constant 25 : i32
      %get3A_889 = arith.index_cast %get3A_888 : i32 to index
      %get3A_890 = arith.index_cast %mul3A_412 : i32 to index
      %get3A_891 = tpu.vector_load %arg7[%get3A_889, %get3A_890] {strides = array<i32>} : memref<32x1024xf32, #tpu.memory_space<vmem>>, vector<16xf32>,
      %bitcast3A_892 = vector.bitcast %get3A_891 : vector<16xf32> to vector<16xi32>
      %add3A_893 = arith.constant 32767 : i32
      %add3A_894 = vector.broadcast %add3A_893 : i32 to vector<16xi32>
      %add3A_895 = arith.addi %bitcast3A_892, %add3A_894 : vector<16xi32>
      %shift_right_arithmetic3A_896 = arith.constant 16 : i32
      %shift_right_arithmetic3A_897 = vector.broadcast %shift_right_arithmetic3A_896 : i32 to vector<16xi32>
      %shift_right_arithmetic3A_898 = arith.shrsi %bitcast3A_892, %shift_right_arithmetic3A_897 : vector<16xi32>
      %and3A_899 = arith.constant 1 : i32
      %and3A_900 = vector.broadcast %and3A_899 : i32 to vector<16xi32>
      %and3A_901 = arith.andi %shift_right_arithmetic3A_898, %and3A_900 : vector<16xi32>
      %add3A_902 = arith.addi %add3A_895, %and3A_901 : vector<16xi32>
      %and3A_903 = arith.constant -65536 : i32
      %and3A_904 = vector.broadcast %and3A_903 : i32 to vector<16xi32>
      %and3A_905 = arith.andi %add3A_902, %and3A_904 : vector<16xi32>
      %bitcast3A_906 = vector.bitcast %and3A_905 : vector<16xi32> to vector<16xf32>
      %get3A_907 = arith.constant 26 : i32
      %get3A_908 = arith.index_cast %get3A_907 : i32 to index
      %get3A_909 = arith.index_cast %mul3A_412 : i32 to index
      %get3A_910 = tpu.vector_load %arg7[%get3A_908, %get3A_909] {strides = array<i32>} : memref<32x1024xf32, #tpu.memory_space<vmem>>, vector<16xf32>,
      %bitcast3A_911 = vector.bitcast %get3A_910 : vector<16xf32> to vector<16xi32>
      %add3A_912 = arith.constant 32767 : i32
      %add3A_913 = vector.broadcast %add3A_912 : i32 to vector<16xi32>
      %add3A_914 = arith.addi %bitcast3A_911, %add3A_913 : vector<16xi32>
      %shift_right_arithmetic3A_915 = arith.constant 16 : i32
      %shift_right_arithmetic3A_916 = vector.broadcast %shift_right_arithmetic3A_915 : i32 to vector<16xi32>
      %shift_right_arithmetic3A_917 = arith.shrsi %bitcast3A_911, %shift_right_arithmetic3A_916 : vector<16xi32>
      %and3A_918 = arith.constant 1 : i32
      %and3A_919 = vector.broadcast %and3A_918 : i32 to vector<16xi32>
      %and3A_920 = arith.andi %shift_right_arithmetic3A_917, %and3A_919 : vector<16xi32>
      %add3A_921 = arith.addi %add3A_914, %and3A_920 : vector<16xi32>
      %and3A_922 = arith.constant -65536 : i32
      %and3A_923 = vector.broadcast %and3A_922 : i32 to vector<16xi32>
      %and3A_924 = arith.andi %add3A_921, %and3A_923 : vector<16xi32>
      %bitcast3A_925 = vector.bitcast %and3A_924 : vector<16xi32> to vector<16xf32>
      %get3A_926 = arith.constant 27 : i32
      %get3A_927 = arith.index_cast %get3A_926 : i32 to index
      %get3A_928 = arith.index_cast %mul3A_412 : i32 to index
      %get3A_929 = tpu.vector_load %arg7[%get3A_927, %get3A_928] {strides = array<i32>} : memref<32x1024xf32, #tpu.memory_space<vmem>>, vector<16xf32>,
      %bitcast3A_930 = vector.bitcast %get3A_929 : vector<16xf32> to vector<16xi32>
      %add3A_931 = arith.constant 32767 : i32
      %add3A_932 = vector.broadcast %add3A_931 : i32 to vector<16xi32>
      %add3A_933 = arith.addi %bitcast3A_930, %add3A_932 : vector<16xi32>
      %shift_right_arithmetic3A_934 = arith.constant 16 : i32
      %shift_right_arithmetic3A_935 = vector.broadcast %shift_right_arithmetic3A_934 : i32 to vector<16xi32>
      %shift_right_arithmetic3A_936 = arith.shrsi %bitcast3A_930, %shift_right_arithmetic3A_935 : vector<16xi32>
      %and3A_937 = arith.constant 1 : i32
      %and3A_938 = vector.broadcast %and3A_937 : i32 to vector<16xi32>
      %and3A_939 = arith.andi %shift_right_arithmetic3A_936, %and3A_938 : vector<16xi32>
      %add3A_940 = arith.addi %add3A_933, %and3A_939 : vector<16xi32>
      %and3A_941 = arith.constant -65536 : i32
      %and3A_942 = vector.broadcast %and3A_941 : i32 to vector<16xi32>
      %and3A_943 = arith.andi %add3A_940, %and3A_942 : vector<16xi32>
      %bitcast3A_944 = vector.bitcast %and3A_943 : vector<16xi32> to vector<16xf32>
      %get3A_945 = arith.constant 28 : i32
      %get3A_946 = arith.index_cast %get3A_945 : i32 to index
      %get3A_947 = arith.index_cast %mul3A_412 : i32 to index
      %get3A_948 = tpu.vector_load %arg7[%get3A_946, %get3A_947] {strides = array<i32>} : memref<32x1024xf32, #tpu.memory_space<vmem>>, vector<16xf32>,
      %bitcast3A_949 = vector.bitcast %get3A_948 : vector<16xf32> to vector<16xi32>
      %add3A_950 = arith.constant 32767 : i32
      %add3A_951 = vector.broadcast %add3A_950 : i32 to vector<16xi32>
      %add3A_952 = arith.addi %bitcast3A_949, %add3A_951 : vector<16xi32>
      %shift_right_arithmetic3A_953 = arith.constant 16 : i32
      %shift_right_arithmetic3A_954 = vector.broadcast %shift_right_arithmetic3A_953 : i32 to vector<16xi32>
      %shift_right_arithmetic3A_955 = arith.shrsi %bitcast3A_949, %shift_right_arithmetic3A_954 : vector<16xi32>
      %and3A_956 = arith.constant 1 : i32
      %and3A_957 = vector.broadcast %and3A_956 : i32 to vector<16xi32>
      %and3A_958 = arith.andi %shift_right_arithmetic3A_955, %and3A_957 : vector<16xi32>
      %add3A_959 = arith.addi %add3A_952, %and3A_958 : vector<16xi32>
      %and3A_960 = arith.constant -65536 : i32
      %and3A_961 = vector.broadcast %and3A_960 : i32 to vector<16xi32>
      %and3A_962 = arith.andi %add3A_959, %and3A_961 : vector<16xi32>
      %bitcast3A_963 = vector.bitcast %and3A_962 : vector<16xi32> to vector<16xf32>
      %get3A_964 = arith.constant 29 : i32
      %get3A_965 = arith.index_cast %get3A_964 : i32 to index
      %get3A_966 = arith.index_cast %mul3A_412 : i32 to index
      %get3A_967 = tpu.vector_load %arg7[%get3A_965, %get3A_966] {strides = array<i32>} : memref<32x1024xf32, #tpu.memory_space<vmem>>, vector<16xf32>,
      %bitcast3A_968 = vector.bitcast %get3A_967 : vector<16xf32> to vector<16xi32>
      %add3A_969 = arith.constant 32767 : i32
      %add3A_970 = vector.broadcast %add3A_969 : i32 to vector<16xi32>
      %add3A_971 = arith.addi %bitcast3A_968, %add3A_970 : vector<16xi32>
      %shift_right_arithmetic3A_972 = arith.constant 16 : i32
      %shift_right_arithmetic3A_973 = vector.broadcast %shift_right_arithmetic3A_972 : i32 to vector<16xi32>
      %shift_right_arithmetic3A_974 = arith.shrsi %bitcast3A_968, %shift_right_arithmetic3A_973 : vector<16xi32>
      %and3A_975 = arith.constant 1 : i32
      %and3A_976 = vector.broadcast %and3A_975 : i32 to vector<16xi32>
      %and3A_977 = arith.andi %shift_right_arithmetic3A_974, %and3A_976 : vector<16xi32>
      %add3A_978 = arith.addi %add3A_971, %and3A_977 : vector<16xi32>
      %and3A_979 = arith.constant -65536 : i32
      %and3A_980 = vector.broadcast %and3A_979 : i32 to vector<16xi32>
      %and3A_981 = arith.andi %add3A_978, %and3A_980 : vector<16xi32>
      %bitcast3A_982 = vector.bitcast %and3A_981 : vector<16xi32> to vector<16xf32>
      %get3A_983 = arith.constant 30 : i32
      %get3A_984 = arith.index_cast %get3A_983 : i32 to index
      %get3A_985 = arith.index_cast %mul3A_412 : i32 to index
      %get3A_986 = tpu.vector_load %arg7[%get3A_984, %get3A_985] {strides = array<i32>} : memref<32x1024xf32, #tpu.memory_space<vmem>>, vector<16xf32>,
      %bitcast3A_987 = vector.bitcast %get3A_986 : vector<16xf32> to vector<16xi32>
      %add3A_988 = arith.constant 32767 : i32
      %add3A_989 = vector.broadcast %add3A_988 : i32 to vector<16xi32>
      %add3A_990 = arith.addi %bitcast3A_987, %add3A_989 : vector<16xi32>
      %shift_right_arithmetic3A_991 = arith.constant 16 : i32
      %shift_right_arithmetic3A_992 = vector.broadcast %shift_right_arithmetic3A_991 : i32 to vector<16xi32>
      %shift_right_arithmetic3A_993 = arith.shrsi %bitcast3A_987, %shift_right_arithmetic3A_992 : vector<16xi32>
      %and3A_994 = arith.constant 1 : i32
      %and3A_995 = vector.broadcast %and3A_994 : i32 to vector<16xi32>
      %and3A_996 = arith.andi %shift_right_arithmetic3A_993, %and3A_995 : vector<16xi32>
      %add3A_997 = arith.addi %add3A_990, %and3A_996 : vector<16xi32>
      %and3A_998 = arith.constant -65536 : i32
      %and3A_999 = vector.broadcast %and3A_998 : i32 to vector<16xi32>
      %and3A_1000 = arith.andi %add3A_997, %and3A_999 : vector<16xi32>
      %bitcast3A_1001 = vector.bitcast %and3A_1000 : vector<16xi32> to vector<16xf32>
      %get3A_1002 = arith.constant 31 : i32
      %get3A_1003 = arith.index_cast %get3A_1002 : i32 to index
      %get3A_1004 = arith.index_cast %mul3A_412 : i32 to index
      %get3A_1005 = tpu.vector_load %arg7[%get3A_1003, %get3A_1004] {strides = array<i32>} : memref<32x1024xf32, #tpu.memory_space<vmem>>, vector<16xf32>,
      %bitcast3A_1006 = vector.bitcast %get3A_1005 : vector<16xf32> to vector<16xi32>
      %add3A_1007 = arith.constant 32767 : i32
      %add3A_1008 = vector.broadcast %add3A_1007 : i32 to vector<16xi32>
      %add3A_1009 = arith.addi %bitcast3A_1006, %add3A_1008 : vector<16xi32>
      %shift_right_arithmetic3A_1010 = arith.constant 16 : i32
      %shift_right_arithmetic3A_1011 = vector.broadcast %shift_right_arithmetic3A_1010 : i32 to vector<16xi32>
      %shift_right_arithmetic3A_1012 = arith.shrsi %bitcast3A_1006, %shift_right_arithmetic3A_1011 : vector<16xi32>
      %and3A_1013 = arith.constant 1 : i32
      %and3A_1014 = vector.broadcast %and3A_1013 : i32 to vector<16xi32>
      %and3A_1015 = arith.andi %shift_right_arithmetic3A_1012, %and3A_1014 : vector<16xi32>
      %add3A_1016 = arith.addi %add3A_1009, %and3A_1015 : vector<16xi32>
      %and3A_1017 = arith.constant -65536 : i32
      %and3A_1018 = vector.broadcast %and3A_1017 : i32 to vector<16xi32>
      %and3A_1019 = arith.andi %add3A_1016, %and3A_1018 : vector<16xi32>
      %bitcast3A_1020 = vector.bitcast %and3A_1019 : vector<16xi32> to vector<16xf32>
      %mul3A_1021 = vector.broadcast %squeeze3A : f32 to vector<16xf32>
      %mul3A_1022 = arith.mulf %bitcast3A_431, %mul3A_1021 : vector<16xf32>
      %mul3A_1023 = vector.broadcast %squeeze3A_38 : f32 to vector<16xf32>
      %mul3A_1024 = arith.mulf %bitcast3A_450, %mul3A_1023 : vector<16xf32>
      %mul3A_1025 = vector.broadcast %squeeze3A_40 : f32 to vector<16xf32>
      %mul3A_1026 = arith.mulf %bitcast3A_469, %mul3A_1025 : vector<16xf32>
      %mul3A_1027 = vector.broadcast %squeeze3A_42 : f32 to vector<16xf32>
      %mul3A_1028 = arith.mulf %bitcast3A_488, %mul3A_1027 : vector<16xf32>
      %mul3A_1029 = vector.broadcast %squeeze3A_44 : f32 to vector<16xf32>
      %mul3A_1030 = arith.mulf %bitcast3A_507, %mul3A_1029 : vector<16xf32>
      %mul3A_1031 = vector.broadcast %squeeze3A_46 : f32 to vector<16xf32>
      %mul3A_1032 = arith.mulf %bitcast3A_526, %mul3A_1031 : vector<16xf32>
      %mul3A_1033 = vector.broadcast %squeeze3A_48 : f32 to vector<16xf32>
      %mul3A_1034 = arith.mulf %bitcast3A_545, %mul3A_1033 : vector<16xf32>
      %mul3A_1035 = vector.broadcast %squeeze3A_50 : f32 to vector<16xf32>
      %mul3A_1036 = arith.mulf %bitcast3A_564, %mul3A_1035 : vector<16xf32>
      %mul3A_1037 = vector.broadcast %squeeze3A_52 : f32 to vector<16xf32>
      %mul3A_1038 = arith.mulf %bitcast3A_583, %mul3A_1037 : vector<16xf32>
      %mul3A_1039 = vector.broadcast %squeeze3A_54 : f32 to vector<16xf32>
      %mul3A_1040 = arith.mulf %bitcast3A_602, %mul3A_1039 : vector<16xf32>
      %mul3A_1041 = vector.broadcast %squeeze3A_56 : f32 to vector<16xf32>
      %mul3A_1042 = arith.mulf %bitcast3A_621, %mul3A_1041 : vector<16xf32>
      %mul3A_1043 = vector.broadcast %squeeze3A_58 : f32 to vector<16xf32>
      %mul3A_1044 = arith.mulf %bitcast3A_640, %mul3A_1043 : vector<16xf32>
      %mul3A_1045 = vector.broadcast %squeeze3A_60 : f32 to vector<16xf32>
      %mul3A_1046 = arith.mulf %bitcast3A_659, %mul3A_1045 : vector<16xf32>
      %mul3A_1047 = vector.broadcast %squeeze3A_62 : f32 to vector<16xf32>
      %mul3A_1048 = arith.mulf %bitcast3A_678, %mul3A_1047 : vector<16xf32>
      %mul3A_1049 = vector.broadcast %squeeze3A_64 : f32 to vector<16xf32>
      %mul3A_1050 = arith.mulf %bitcast3A_697, %mul3A_1049 : vector<16xf32>
      %mul3A_1051 = vector.broadcast %squeeze3A_66 : f32 to vector<16xf32>
      %mul3A_1052 = arith.mulf %bitcast3A_716, %mul3A_1051 : vector<16xf32>
      %mul3A_1053 = vector.broadcast %squeeze3A_68 : f32 to vector<16xf32>
      %mul3A_1054 = arith.mulf %bitcast3A_735, %mul3A_1053 : vector<16xf32>
      %mul3A_1055 = vector.broadcast %squeeze3A_70 : f32 to vector<16xf32>
      %mul3A_1056 = arith.mulf %bitcast3A_754, %mul3A_1055 : vector<16xf32>
      %mul3A_1057 = vector.broadcast %squeeze3A_72 : f32 to vector<16xf32>
      %mul3A_1058 = arith.mulf %bitcast3A_773, %mul3A_1057 : vector<16xf32>
      %mul3A_1059 = vector.broadcast %squeeze3A_74 : f32 to vector<16xf32>
      %mul3A_1060 = arith.mulf %bitcast3A_792, %mul3A_1059 : vector<16xf32>
      %mul3A_1061 = vector.broadcast %squeeze3A_76 : f32 to vector<16xf32>
      %mul3A_1062 = arith.mulf %bitcast3A_811, %mul3A_1061 : vector<16xf32>
      %mul3A_1063 = vector.broadcast %squeeze3A_78 : f32 to vector<16xf32>
      %mul3A_1064 = arith.mulf %bitcast3A_830, %mul3A_1063 : vector<16xf32>
      %mul3A_1065 = vector.broadcast %squeeze3A_80 : f32 to vector<16xf32>
      %mul3A_1066 = arith.mulf %bitcast3A_849, %mul3A_1065 : vector<16xf32>
      %mul3A_1067 = vector.broadcast %squeeze3A_82 : f32 to vector<16xf32>
      %mul3A_1068 = arith.mulf %bitcast3A_868, %mul3A_1067 : vector<16xf32>
      %mul3A_1069 = vector.broadcast %squeeze3A_84 : f32 to vector<16xf32>
      %mul3A_1070 = arith.mulf %bitcast3A_887, %mul3A_1069 : vector<16xf32>
      %mul3A_1071 = vector.broadcast %squeeze3A_86 : f32 to vector<16xf32>
      %mul3A_1072 = arith.mulf %bitcast3A_906, %mul3A_1071 : vector<16xf32>
      %mul3A_1073 = vector.broadcast %squeeze3A_88 : f32 to vector<16xf32>
      %mul3A_1074 = arith.mulf %bitcast3A_925, %mul3A_1073 : vector<16xf32>
      %mul3A_1075 = vector.broadcast %squeeze3A_90 : f32 to vector<16xf32>
      %mul3A_1076 = arith.mulf %bitcast3A_944, %mul3A_1075 : vector<16xf32>
      %mul3A_1077 = vector.broadcast %squeeze3A_92 : f32 to vector<16xf32>
      %mul3A_1078 = arith.mulf %bitcast3A_963, %mul3A_1077 : vector<16xf32>
      %mul3A_1079 = vector.broadcast %squeeze3A_94 : f32 to vector<16xf32>
      %mul3A_1080 = arith.mulf %bitcast3A_982, %mul3A_1079 : vector<16xf32>
      %mul3A_1081 = vector.broadcast %squeeze3A_96 : f32 to vector<16xf32>
      %mul3A_1082 = arith.mulf %bitcast3A_1001, %mul3A_1081 : vector<16xf32>
      %mul3A_1083 = vector.broadcast %squeeze3A_98 : f32 to vector<16xf32>
      %mul3A_1084 = arith.mulf %bitcast3A_1020, %mul3A_1083 : vector<16xf32>
      %add3A_1085 = arith.addf %mul3A_1022, %mul3A_1024 : vector<16xf32>
      %add3A_1086 = arith.addf %mul3A_1026, %mul3A_1028 : vector<16xf32>
      %add3A_1087 = arith.addf %mul3A_1030, %mul3A_1032 : vector<16xf32>
      %add3A_1088 = arith.addf %mul3A_1034, %mul3A_1036 : vector<16xf32>
      %add3A_1089 = arith.addf %mul3A_1038, %mul3A_1040 : vector<16xf32>
      %add3A_1090 = arith.addf %mul3A_1042, %mul3A_1044 : vector<16xf32>
      %add3A_1091 = arith.addf %mul3A_1046, %mul3A_1048 : vector<16xf32>
      %add3A_1092 = arith.addf %mul3A_1050, %mul3A_1052 : vector<16xf32>
      %add3A_1093 = arith.addf %mul3A_1054, %mul3A_1056 : vector<16xf32>
      %add3A_1094 = arith.addf %mul3A_1058, %mul3A_1060 : vector<16xf32>
      %add3A_1095 = arith.addf %mul3A_1062, %mul3A_1064 : vector<16xf32>
      %add3A_1096 = arith.addf %mul3A_1066, %mul3A_1068 : vector<16xf32>
      %add3A_1097 = arith.addf %mul3A_1070, %mul3A_1072 : vector<16xf32>
      %add3A_1098 = arith.addf %mul3A_1074, %mul3A_1076 : vector<16xf32>
      %add3A_1099 = arith.addf %mul3A_1078, %mul3A_1080 : vector<16xf32>
      %add3A_1100 = arith.addf %mul3A_1082, %mul3A_1084 : vector<16xf32>
      %add3A_1101 = arith.addf %add3A_1085, %add3A_1086 : vector<16xf32>
      %add3A_1102 = arith.addf %add3A_1087, %add3A_1088 : vector<16xf32>
      %add3A_1103 = arith.addf %add3A_1089, %add3A_1090 : vector<16xf32>
      %add3A_1104 = arith.addf %add3A_1091, %add3A_1092 : vector<16xf32>
      %add3A_1105 = arith.addf %add3A_1093, %add3A_1094 : vector<16xf32>
      %add3A_1106 = arith.addf %add3A_1095, %add3A_1096 : vector<16xf32>
      %add3A_1107 = arith.addf %add3A_1097, %add3A_1098 : vector<16xf32>
      %add3A_1108 = arith.addf %add3A_1099, %add3A_1100 : vector<16xf32>
      %add3A_1109 = arith.addf %add3A_1101, %add3A_1102 : vector<16xf32>
      %add3A_1110 = arith.addf %add3A_1103, %add3A_1104 : vector<16xf32>
      %add3A_1111 = arith.addf %add3A_1105, %add3A_1106 : vector<16xf32>
      %add3A_1112 = arith.addf %add3A_1107, %add3A_1108 : vector<16xf32>
      %add3A_1113 = arith.addf %add3A_1109, %add3A_1110 : vector<16xf32>
      %add3A_1114 = arith.addf %add3A_1111, %add3A_1112 : vector<16xf32>
      %add3A_1115 = arith.addf %add3A_1113, %add3A_1114 : vector<16xf32>
      %mul3A_1116 = vector.broadcast %squeeze3A_138 : f32 to vector<16xf32>
      %mul3A_1117 = arith.mulf %bitcast3A_431, %mul3A_1116 : vector<16xf32>
      %mul3A_1118 = vector.broadcast %squeeze3A_140 : f32 to vector<16xf32>
      %mul3A_1119 = arith.mulf %bitcast3A_450, %mul3A_1118 : vector<16xf32>
      %mul3A_1120 = vector.broadcast %squeeze3A_142 : f32 to vector<16xf32>
      %mul3A_1121 = arith.mulf %bitcast3A_469, %mul3A_1120 : vector<16xf32>
      %mul3A_1122 = vector.broadcast %squeeze3A_144 : f32 to vector<16xf32>
      %mul3A_1123 = arith.mulf %bitcast3A_488, %mul3A_1122 : vector<16xf32>
      %mul3A_1124 = vector.broadcast %squeeze3A_146 : f32 to vector<16xf32>
      %mul3A_1125 = arith.mulf %bitcast3A_507, %mul3A_1124 : vector<16xf32>
      %mul3A_1126 = vector.broadcast %squeeze3A_148 : f32 to vector<16xf32>
      %mul3A_1127 = arith.mulf %bitcast3A_526, %mul3A_1126 : vector<16xf32>
      %mul3A_1128 = vector.broadcast %squeeze3A_150 : f32 to vector<16xf32>
      %mul3A_1129 = arith.mulf %bitcast3A_545, %mul3A_1128 : vector<16xf32>
      %mul3A_1130 = vector.broadcast %squeeze3A_152 : f32 to vector<16xf32>
      %mul3A_1131 = arith.mulf %bitcast3A_564, %mul3A_1130 : vector<16xf32>
      %mul3A_1132 = vector.broadcast %squeeze3A_154 : f32 to vector<16xf32>
      %mul3A_1133 = arith.mulf %bitcast3A_583, %mul3A_1132 : vector<16xf32>
      %mul3A_1134 = vector.broadcast %squeeze3A_156 : f32 to vector<16xf32>
      %mul3A_1135 = arith.mulf %bitcast3A_602, %mul3A_1134 : vector<16xf32>
      %mul3A_1136 = vector.broadcast %squeeze3A_158 : f32 to vector<16xf32>
      %mul3A_1137 = arith.mulf %bitcast3A_621, %mul3A_1136 : vector<16xf32>
      %mul3A_1138 = vector.broadcast %squeeze3A_160 : f32 to vector<16xf32>
      %mul3A_1139 = arith.mulf %bitcast3A_640, %mul3A_1138 : vector<16xf32>
      %mul3A_1140 = vector.broadcast %squeeze3A_162 : f32 to vector<16xf32>
      %mul3A_1141 = arith.mulf %bitcast3A_659, %mul3A_1140 : vector<16xf32>
      %mul3A_1142 = vector.broadcast %squeeze3A_164 : f32 to vector<16xf32>
      %mul3A_1143 = arith.mulf %bitcast3A_678, %mul3A_1142 : vector<16xf32>
      %mul3A_1144 = vector.broadcast %squeeze3A_166 : f32 to vector<16xf32>
      %mul3A_1145 = arith.mulf %bitcast3A_697, %mul3A_1144 : vector<16xf32>
      %mul3A_1146 = vector.broadcast %squeeze3A_168 : f32 to vector<16xf32>
      %mul3A_1147 = arith.mulf %bitcast3A_716, %mul3A_1146 : vector<16xf32>
      %mul3A_1148 = vector.broadcast %squeeze3A_170 : f32 to vector<16xf32>
      %mul3A_1149 = arith.mulf %bitcast3A_735, %mul3A_1148 : vector<16xf32>
      %mul3A_1150 = vector.broadcast %squeeze3A_172 : f32 to vector<16xf32>
      %mul3A_1151 = arith.mulf %bitcast3A_754, %mul3A_1150 : vector<16xf32>
      %mul3A_1152 = vector.broadcast %squeeze3A_174 : f32 to vector<16xf32>
      %mul3A_1153 = arith.mulf %bitcast3A_773, %mul3A_1152 : vector<16xf32>
      %mul3A_1154 = vector.broadcast %squeeze3A_176 : f32 to vector<16xf32>
      %mul3A_1155 = arith.mulf %bitcast3A_792, %mul3A_1154 : vector<16xf32>
      %mul3A_1156 = vector.broadcast %squeeze3A_178 : f32 to vector<16xf32>
      %mul3A_1157 = arith.mulf %bitcast3A_811, %mul3A_1156 : vector<16xf32>
      %mul3A_1158 = vector.broadcast %squeeze3A_180 : f32 to vector<16xf32>
      %mul3A_1159 = arith.mulf %bitcast3A_830, %mul3A_1158 : vector<16xf32>
      %mul3A_1160 = vector.broadcast %squeeze3A_182 : f32 to vector<16xf32>
      %mul3A_1161 = arith.mulf %bitcast3A_849, %mul3A_1160 : vector<16xf32>
      %mul3A_1162 = vector.broadcast %squeeze3A_184 : f32 to vector<16xf32>
      %mul3A_1163 = arith.mulf %bitcast3A_868, %mul3A_1162 : vector<16xf32>
      %mul3A_1164 = vector.broadcast %squeeze3A_186 : f32 to vector<16xf32>
      %mul3A_1165 = arith.mulf %bitcast3A_887, %mul3A_1164 : vector<16xf32>
      %mul3A_1166 = vector.broadcast %squeeze3A_188 : f32 to vector<16xf32>
      %mul3A_1167 = arith.mulf %bitcast3A_906, %mul3A_1166 : vector<16xf32>
      %mul3A_1168 = vector.broadcast %squeeze3A_190 : f32 to vector<16xf32>
      %mul3A_1169 = arith.mulf %bitcast3A_925, %mul3A_1168 : vector<16xf32>
      %mul3A_1170 = vector.broadcast %squeeze3A_192 : f32 to vector<16xf32>
      %mul3A_1171 = arith.mulf %bitcast3A_944, %mul3A_1170 : vector<16xf32>
      %mul3A_1172 = vector.broadcast %squeeze3A_194 : f32 to vector<16xf32>
      %mul3A_1173 = arith.mulf %bitcast3A_963, %mul3A_1172 : vector<16xf32>
      %mul3A_1174 = vector.broadcast %squeeze3A_196 : f32 to vector<16xf32>
      %mul3A_1175 = arith.mulf %bitcast3A_982, %mul3A_1174 : vector<16xf32>
      %mul3A_1176 = vector.broadcast %squeeze3A_198 : f32 to vector<16xf32>
      %mul3A_1177 = arith.mulf %bitcast3A_1001, %mul3A_1176 : vector<16xf32>
      %mul3A_1178 = vector.broadcast %squeeze3A_200 : f32 to vector<16xf32>
      %mul3A_1179 = arith.mulf %bitcast3A_1020, %mul3A_1178 : vector<16xf32>
      %add3A_1180 = arith.addf %mul3A_1117, %mul3A_1119 : vector<16xf32>
      %add3A_1181 = arith.addf %mul3A_1121, %mul3A_1123 : vector<16xf32>
      %add3A_1182 = arith.addf %mul3A_1125, %mul3A_1127 : vector<16xf32>
      %add3A_1183 = arith.addf %mul3A_1129, %mul3A_1131 : vector<16xf32>
      %add3A_1184 = arith.addf %mul3A_1133, %mul3A_1135 : vector<16xf32>
      %add3A_1185 = arith.addf %mul3A_1137, %mul3A_1139 : vector<16xf32>
      %add3A_1186 = arith.addf %mul3A_1141, %mul3A_1143 : vector<16xf32>
      %add3A_1187 = arith.addf %mul3A_1145, %mul3A_1147 : vector<16xf32>
      %add3A_1188 = arith.addf %mul3A_1149, %mul3A_1151 : vector<16xf32>
      %add3A_1189 = arith.addf %mul3A_1153, %mul3A_1155 : vector<16xf32>
      %add3A_1190 = arith.addf %mul3A_1157, %mul3A_1159 : vector<16xf32>
      %add3A_1191 = arith.addf %mul3A_1161, %mul3A_1163 : vector<16xf32>
      %add3A_1192 = arith.addf %mul3A_1165, %mul3A_1167 : vector<16xf32>
      %add3A_1193 = arith.addf %mul3A_1169, %mul3A_1171 : vector<16xf32>
      %add3A_1194 = arith.addf %mul3A_1173, %mul3A_1175 : vector<16xf32>
      %add3A_1195 = arith.addf %mul3A_1177, %mul3A_1179 : vector<16xf32>
      %add3A_1196 = arith.addf %add3A_1180, %add3A_1181 : vector<16xf32>
      %add3A_1197 = arith.addf %add3A_1182, %add3A_1183 : vector<16xf32>
      %add3A_1198 = arith.addf %add3A_1184, %add3A_1185 : vector<16xf32>
      %add3A_1199 = arith.addf %add3A_1186, %add3A_1187 : vector<16xf32>
      %add3A_1200 = arith.addf %add3A_1188, %add3A_1189 : vector<16xf32>
      %add3A_1201 = arith.addf %add3A_1190, %add3A_1191 : vector<16xf32>
      %add3A_1202 = arith.addf %add3A_1192, %add3A_1193 : vector<16xf32>
      %add3A_1203 = arith.addf %add3A_1194, %add3A_1195 : vector<16xf32>
      %add3A_1204 = arith.addf %add3A_1196, %add3A_1197 : vector<16xf32>
      %add3A_1205 = arith.addf %add3A_1198, %add3A_1199 : vector<16xf32>
      %add3A_1206 = arith.addf %add3A_1200, %add3A_1201 : vector<16xf32>
      %add3A_1207 = arith.addf %add3A_1202, %add3A_1203 : vector<16xf32>
      %add3A_1208 = arith.addf %add3A_1204, %add3A_1205 : vector<16xf32>
      %add3A_1209 = arith.addf %add3A_1206, %add3A_1207 : vector<16xf32>
      %add3A_1210 = arith.addf %add3A_1208, %add3A_1209 : vector<16xf32>
      %mul3A_1211 = vector.broadcast %squeeze3A_240 : f32 to vector<16xf32>
      %mul3A_1212 = arith.mulf %bitcast3A_431, %mul3A_1211 : vector<16xf32>
      %mul3A_1213 = vector.broadcast %squeeze3A_242 : f32 to vector<16xf32>
      %mul3A_1214 = arith.mulf %bitcast3A_450, %mul3A_1213 : vector<16xf32>
      %mul3A_1215 = vector.broadcast %squeeze3A_244 : f32 to vector<16xf32>
      %mul3A_1216 = arith.mulf %bitcast3A_469, %mul3A_1215 : vector<16xf32>
      %mul3A_1217 = vector.broadcast %squeeze3A_246 : f32 to vector<16xf32>
      %mul3A_1218 = arith.mulf %bitcast3A_488, %mul3A_1217 : vector<16xf32>
      %mul3A_1219 = vector.broadcast %squeeze3A_248 : f32 to vector<16xf32>
      %mul3A_1220 = arith.mulf %bitcast3A_507, %mul3A_1219 : vector<16xf32>
      %mul3A_1221 = vector.broadcast %squeeze3A_250 : f32 to vector<16xf32>
      %mul3A_1222 = arith.mulf %bitcast3A_526, %mul3A_1221 : vector<16xf32>
      %mul3A_1223 = vector.broadcast %squeeze3A_252 : f32 to vector<16xf32>
      %mul3A_1224 = arith.mulf %bitcast3A_545, %mul3A_1223 : vector<16xf32>
      %mul3A_1225 = vector.broadcast %squeeze3A_254 : f32 to vector<16xf32>
      %mul3A_1226 = arith.mulf %bitcast3A_564, %mul3A_1225 : vector<16xf32>
      %mul3A_1227 = vector.broadcast %squeeze3A_256 : f32 to vector<16xf32>
      %mul3A_1228 = arith.mulf %bitcast3A_583, %mul3A_1227 : vector<16xf32>
      %mul3A_1229 = vector.broadcast %squeeze3A_258 : f32 to vector<16xf32>
      %mul3A_1230 = arith.mulf %bitcast3A_602, %mul3A_1229 : vector<16xf32>
      %mul3A_1231 = vector.broadcast %squeeze3A_260 : f32 to vector<16xf32>
      %mul3A_1232 = arith.mulf %bitcast3A_621, %mul3A_1231 : vector<16xf32>
      %mul3A_1233 = vector.broadcast %squeeze3A_262 : f32 to vector<16xf32>
      %mul3A_1234 = arith.mulf %bitcast3A_640, %mul3A_1233 : vector<16xf32>
      %mul3A_1235 = vector.broadcast %squeeze3A_264 : f32 to vector<16xf32>
      %mul3A_1236 = arith.mulf %bitcast3A_659, %mul3A_1235 : vector<16xf32>
      %mul3A_1237 = vector.broadcast %squeeze3A_266 : f32 to vector<16xf32>
      %mul3A_1238 = arith.mulf %bitcast3A_678, %mul3A_1237 : vector<16xf32>
      %mul3A_1239 = vector.broadcast %squeeze3A_268 : f32 to vector<16xf32>
      %mul3A_1240 = arith.mulf %bitcast3A_697, %mul3A_1239 : vector<16xf32>
      %mul3A_1241 = vector.broadcast %squeeze3A_270 : f32 to vector<16xf32>
      %mul3A_1242 = arith.mulf %bitcast3A_716, %mul3A_1241 : vector<16xf32>
      %mul3A_1243 = vector.broadcast %squeeze3A_272 : f32 to vector<16xf32>
      %mul3A_1244 = arith.mulf %bitcast3A_735, %mul3A_1243 : vector<16xf32>
      %mul3A_1245 = vector.broadcast %squeeze3A_274 : f32 to vector<16xf32>
      %mul3A_1246 = arith.mulf %bitcast3A_754, %mul3A_1245 : vector<16xf32>
      %mul3A_1247 = vector.broadcast %squeeze3A_276 : f32 to vector<16xf32>
      %mul3A_1248 = arith.mulf %bitcast3A_773, %mul3A_1247 : vector<16xf32>
      %mul3A_1249 = vector.broadcast %squeeze3A_278 : f32 to vector<16xf32>
      %mul3A_1250 = arith.mulf %bitcast3A_792, %mul3A_1249 : vector<16xf32>
      %mul3A_1251 = vector.broadcast %squeeze3A_280 : f32 to vector<16xf32>
      %mul3A_1252 = arith.mulf %bitcast3A_811, %mul3A_1251 : vector<16xf32>
      %mul3A_1253 = vector.broadcast %squeeze3A_282 : f32 to vector<16xf32>
      %mul3A_1254 = arith.mulf %bitcast3A_830, %mul3A_1253 : vector<16xf32>
      %mul3A_1255 = vector.broadcast %squeeze3A_284 : f32 to vector<16xf32>
      %mul3A_1256 = arith.mulf %bitcast3A_849, %mul3A_1255 : vector<16xf32>
      %mul3A_1257 = vector.broadcast %squeeze3A_286 : f32 to vector<16xf32>
      %mul3A_1258 = arith.mulf %bitcast3A_868, %mul3A_1257 : vector<16xf32>
      %mul3A_1259 = vector.broadcast %squeeze3A_288 : f32 to vector<16xf32>
      %mul3A_1260 = arith.mulf %bitcast3A_887, %mul3A_1259 : vector<16xf32>
      %mul3A_1261 = vector.broadcast %squeeze3A_290 : f32 to vector<16xf32>
      %mul3A_1262 = arith.mulf %bitcast3A_906, %mul3A_1261 : vector<16xf32>
      %mul3A_1263 = vector.broadcast %squeeze3A_292 : f32 to vector<16xf32>
      %mul3A_1264 = arith.mulf %bitcast3A_925, %mul3A_1263 : vector<16xf32>
      %mul3A_1265 = vector.broadcast %squeeze3A_294 : f32 to vector<16xf32>
      %mul3A_1266 = arith.mulf %bitcast3A_944, %mul3A_1265 : vector<16xf32>
      %mul3A_1267 = vector.broadcast %squeeze3A_296 : f32 to vector<16xf32>
      %mul3A_1268 = arith.mulf %bitcast3A_963, %mul3A_1267 : vector<16xf32>
      %mul3A_1269 = vector.broadcast %squeeze3A_298 : f32 to vector<16xf32>
      %mul3A_1270 = arith.mulf %bitcast3A_982, %mul3A_1269 : vector<16xf32>
      %mul3A_1271 = vector.broadcast %squeeze3A_300 : f32 to vector<16xf32>
      %mul3A_1272 = arith.mulf %bitcast3A_1001, %mul3A_1271 : vector<16xf32>
      %mul3A_1273 = vector.broadcast %squeeze3A_302 : f32 to vector<16xf32>
      %mul3A_1274 = arith.mulf %bitcast3A_1020, %mul3A_1273 : vector<16xf32>
      %add3A_1275 = arith.addf %mul3A_1212, %mul3A_1214 : vector<16xf32>
      %add3A_1276 = arith.addf %mul3A_1216, %mul3A_1218 : vector<16xf32>
      %add3A_1277 = arith.addf %mul3A_1220, %mul3A_1222 : vector<16xf32>
      %add3A_1278 = arith.addf %mul3A_1224, %mul3A_1226 : vector<16xf32>
      %add3A_1279 = arith.addf %mul3A_1228, %mul3A_1230 : vector<16xf32>
      %add3A_1280 = arith.addf %mul3A_1232, %mul3A_1234 : vector<16xf32>
      %add3A_1281 = arith.addf %mul3A_1236, %mul3A_1238 : vector<16xf32>
      %add3A_1282 = arith.addf %mul3A_1240, %mul3A_1242 : vector<16xf32>
      %add3A_1283 = arith.addf %mul3A_1244, %mul3A_1246 : vector<16xf32>
      %add3A_1284 = arith.addf %mul3A_1248, %mul3A_1250 : vector<16xf32>
      %add3A_1285 = arith.addf %mul3A_1252, %mul3A_1254 : vector<16xf32>
      %add3A_1286 = arith.addf %mul3A_1256, %mul3A_1258 : vector<16xf32>
      %add3A_1287 = arith.addf %mul3A_1260, %mul3A_1262 : vector<16xf32>
      %add3A_1288 = arith.addf %mul3A_1264, %mul3A_1266 : vector<16xf32>
      %add3A_1289 = arith.addf %mul3A_1268, %mul3A_1270 : vector<16xf32>
      %add3A_1290 = arith.addf %mul3A_1272, %mul3A_1274 : vector<16xf32>
      %add3A_1291 = arith.addf %add3A_1275, %add3A_1276 : vector<16xf32>
      %add3A_1292 = arith.addf %add3A_1277, %add3A_1278 : vector<16xf32>
      %add3A_1293 = arith.addf %add3A_1279, %add3A_1280 : vector<16xf32>
      %add3A_1294 = arith.addf %add3A_1281, %add3A_1282 : vector<16xf32>
      %add3A_1295 = arith.addf %add3A_1283, %add3A_1284 : vector<16xf32>
      %add3A_1296 = arith.addf %add3A_1285, %add3A_1286 : vector<16xf32>
      %add3A_1297 = arith.addf %add3A_1287, %add3A_1288 : vector<16xf32>
      %add3A_1298 = arith.addf %add3A_1289, %add3A_1290 : vector<16xf32>
      %add3A_1299 = arith.addf %add3A_1291, %add3A_1292 : vector<16xf32>
      %add3A_1300 = arith.addf %add3A_1293, %add3A_1294 : vector<16xf32>
      %add3A_1301 = arith.addf %add3A_1295, %add3A_1296 : vector<16xf32>
      %add3A_1302 = arith.addf %add3A_1297, %add3A_1298 : vector<16xf32>
      %add3A_1303 = arith.addf %add3A_1299, %add3A_1300 : vector<16xf32>
      %add3A_1304 = arith.addf %add3A_1301, %add3A_1302 : vector<16xf32>
      %add3A_1305 = arith.addf %add3A_1303, %add3A_1304 : vector<16xf32>
      %mul3A_1306 = vector.broadcast %squeeze3A_342 : f32 to vector<16xf32>
      %mul3A_1307 = arith.mulf %bitcast3A_431, %mul3A_1306 : vector<16xf32>
      %mul3A_1308 = vector.broadcast %squeeze3A_344 : f32 to vector<16xf32>
      %mul3A_1309 = arith.mulf %bitcast3A_450, %mul3A_1308 : vector<16xf32>
      %mul3A_1310 = vector.broadcast %squeeze3A_346 : f32 to vector<16xf32>
      %mul3A_1311 = arith.mulf %bitcast3A_469, %mul3A_1310 : vector<16xf32>
      %mul3A_1312 = vector.broadcast %squeeze3A_348 : f32 to vector<16xf32>
      %mul3A_1313 = arith.mulf %bitcast3A_488, %mul3A_1312 : vector<16xf32>
      %mul3A_1314 = vector.broadcast %squeeze3A_350 : f32 to vector<16xf32>
      %mul3A_1315 = arith.mulf %bitcast3A_507, %mul3A_1314 : vector<16xf32>
      %mul3A_1316 = vector.broadcast %squeeze3A_352 : f32 to vector<16xf32>
      %mul3A_1317 = arith.mulf %bitcast3A_526, %mul3A_1316 : vector<16xf32>
      %mul3A_1318 = vector.broadcast %squeeze3A_354 : f32 to vector<16xf32>
      %mul3A_1319 = arith.mulf %bitcast3A_545, %mul3A_1318 : vector<16xf32>
      %mul3A_1320 = vector.broadcast %squeeze3A_356 : f32 to vector<16xf32>
      %mul3A_1321 = arith.mulf %bitcast3A_564, %mul3A_1320 : vector<16xf32>
      %mul3A_1322 = vector.broadcast %squeeze3A_358 : f32 to vector<16xf32>
      %mul3A_1323 = arith.mulf %bitcast3A_583, %mul3A_1322 : vector<16xf32>
      %mul3A_1324 = vector.broadcast %squeeze3A_360 : f32 to vector<16xf32>
      %mul3A_1325 = arith.mulf %bitcast3A_602, %mul3A_1324 : vector<16xf32>
      %mul3A_1326 = vector.broadcast %squeeze3A_362 : f32 to vector<16xf32>
      %mul3A_1327 = arith.mulf %bitcast3A_621, %mul3A_1326 : vector<16xf32>
      %mul3A_1328 = vector.broadcast %squeeze3A_364 : f32 to vector<16xf32>
      %mul3A_1329 = arith.mulf %bitcast3A_640, %mul3A_1328 : vector<16xf32>
      %mul3A_1330 = vector.broadcast %squeeze3A_366 : f32 to vector<16xf32>
      %mul3A_1331 = arith.mulf %bitcast3A_659, %mul3A_1330 : vector<16xf32>
      %mul3A_1332 = vector.broadcast %squeeze3A_368 : f32 to vector<16xf32>
      %mul3A_1333 = arith.mulf %bitcast3A_678, %mul3A_1332 : vector<16xf32>
      %mul3A_1334 = vector.broadcast %squeeze3A_370 : f32 to vector<16xf32>
      %mul3A_1335 = arith.mulf %bitcast3A_697, %mul3A_1334 : vector<16xf32>
      %mul3A_1336 = vector.broadcast %squeeze3A_372 : f32 to vector<16xf32>
      %mul3A_1337 = arith.mulf %bitcast3A_716, %mul3A_1336 : vector<16xf32>
      %mul3A_1338 = vector.broadcast %squeeze3A_374 : f32 to vector<16xf32>
      %mul3A_1339 = arith.mulf %bitcast3A_735, %mul3A_1338 : vector<16xf32>
      %mul3A_1340 = vector.broadcast %squeeze3A_376 : f32 to vector<16xf32>
      %mul3A_1341 = arith.mulf %bitcast3A_754, %mul3A_1340 : vector<16xf32>
      %mul3A_1342 = vector.broadcast %squeeze3A_378 : f32 to vector<16xf32>
      %mul3A_1343 = arith.mulf %bitcast3A_773, %mul3A_1342 : vector<16xf32>
      %mul3A_1344 = vector.broadcast %squeeze3A_380 : f32 to vector<16xf32>
      %mul3A_1345 = arith.mulf %bitcast3A_792, %mul3A_1344 : vector<16xf32>
      %mul3A_1346 = vector.broadcast %squeeze3A_382 : f32 to vector<16xf32>
      %mul3A_1347 = arith.mulf %bitcast3A_811, %mul3A_1346 : vector<16xf32>
      %mul3A_1348 = vector.broadcast %squeeze3A_384 : f32 to vector<16xf32>
      %mul3A_1349 = arith.mulf %bitcast3A_830, %mul3A_1348 : vector<16xf32>
      %mul3A_1350 = vector.broadcast %squeeze3A_386 : f32 to vector<16xf32>
      %mul3A_1351 = arith.mulf %bitcast3A_849, %mul3A_1350 : vector<16xf32>
      %mul3A_1352 = vector.broadcast %squeeze3A_388 : f32 to vector<16xf32>
      %mul3A_1353 = arith.mulf %bitcast3A_868, %mul3A_1352 : vector<16xf32>
      %mul3A_1354 = vector.broadcast %squeeze3A_390 : f32 to vector<16xf32>
      %mul3A_1355 = arith.mulf %bitcast3A_887, %mul3A_1354 : vector<16xf32>
      %mul3A_1356 = vector.broadcast %squeeze3A_392 : f32 to vector<16xf32>
      %mul3A_1357 = arith.mulf %bitcast3A_906, %mul3A_1356 : vector<16xf32>
      %mul3A_1358 = vector.broadcast %squeeze3A_394 : f32 to vector<16xf32>
      %mul3A_1359 = arith.mulf %bitcast3A_925, %mul3A_1358 : vector<16xf32>
      %mul3A_1360 = vector.broadcast %squeeze3A_396 : f32 to vector<16xf32>
      %mul3A_1361 = arith.mulf %bitcast3A_944, %mul3A_1360 : vector<16xf32>
      %mul3A_1362 = vector.broadcast %squeeze3A_398 : f32 to vector<16xf32>
      %mul3A_1363 = arith.mulf %bitcast3A_963, %mul3A_1362 : vector<16xf32>
      %mul3A_1364 = vector.broadcast %squeeze3A_400 : f32 to vector<16xf32>
      %mul3A_1365 = arith.mulf %bitcast3A_982, %mul3A_1364 : vector<16xf32>
      %mul3A_1366 = vector.broadcast %squeeze3A_402 : f32 to vector<16xf32>
      %mul3A_1367 = arith.mulf %bitcast3A_1001, %mul3A_1366 : vector<16xf32>
      %mul3A_1368 = vector.broadcast %squeeze3A_404 : f32 to vector<16xf32>
      %mul3A_1369 = arith.mulf %bitcast3A_1020, %mul3A_1368 : vector<16xf32>
      %add3A_1370 = arith.addf %mul3A_1307, %mul3A_1309 : vector<16xf32>
      %add3A_1371 = arith.addf %mul3A_1311, %mul3A_1313 : vector<16xf32>
      %add3A_1372 = arith.addf %mul3A_1315, %mul3A_1317 : vector<16xf32>
      %add3A_1373 = arith.addf %mul3A_1319, %mul3A_1321 : vector<16xf32>
      %add3A_1374 = arith.addf %mul3A_1323, %mul3A_1325 : vector<16xf32>
      %add3A_1375 = arith.addf %mul3A_1327, %mul3A_1329 : vector<16xf32>
      %add3A_1376 = arith.addf %mul3A_1331, %mul3A_1333 : vector<16xf32>
      %add3A_1377 = arith.addf %mul3A_1335, %mul3A_1337 : vector<16xf32>
      %add3A_1378 = arith.addf %mul3A_1339, %mul3A_1341 : vector<16xf32>
      %add3A_1379 = arith.addf %mul3A_1343, %mul3A_1345 : vector<16xf32>
      %add3A_1380 = arith.addf %mul3A_1347, %mul3A_1349 : vector<16xf32>
      %add3A_1381 = arith.addf %mul3A_1351, %mul3A_1353 : vector<16xf32>
      %add3A_1382 = arith.addf %mul3A_1355, %mul3A_1357 : vector<16xf32>
      %add3A_1383 = arith.addf %mul3A_1359, %mul3A_1361 : vector<16xf32>
      %add3A_1384 = arith.addf %mul3A_1363, %mul3A_1365 : vector<16xf32>
      %add3A_1385 = arith.addf %mul3A_1367, %mul3A_1369 : vector<16xf32>
      %add3A_1386 = arith.addf %add3A_1370, %add3A_1371 : vector<16xf32>
      %add3A_1387 = arith.addf %add3A_1372, %add3A_1373 : vector<16xf32>
      %add3A_1388 = arith.addf %add3A_1374, %add3A_1375 : vector<16xf32>
      %add3A_1389 = arith.addf %add3A_1376, %add3A_1377 : vector<16xf32>
      %add3A_1390 = arith.addf %add3A_1378, %add3A_1379 : vector<16xf32>
      %add3A_1391 = arith.addf %add3A_1380, %add3A_1381 : vector<16xf32>
      %add3A_1392 = arith.addf %add3A_1382, %add3A_1383 : vector<16xf32>
      %add3A_1393 = arith.addf %add3A_1384, %add3A_1385 : vector<16xf32>
      %add3A_1394 = arith.addf %add3A_1386, %add3A_1387 : vector<16xf32>
      %add3A_1395 = arith.addf %add3A_1388, %add3A_1389 : vector<16xf32>
      %add3A_1396 = arith.addf %add3A_1390, %add3A_1391 : vector<16xf32>
      %add3A_1397 = arith.addf %add3A_1392, %add3A_1393 : vector<16xf32>
      %add3A_1398 = arith.addf %add3A_1394, %add3A_1395 : vector<16xf32>
      %add3A_1399 = arith.addf %add3A_1396, %add3A_1397 : vector<16xf32>
      %add3A_1400 = arith.addf %add3A_1398, %add3A_1399 : vector<16xf32>
      %max3A = arith.maximumf %add3A_1115, %add3A_1210 : vector<16xf32>
      %max3A_1401 = arith.maximumf %add3A_1305, %add3A_1400 : vector<16xf32>
      %max3A_1402 = arith.maximumf %max3A, %max3A_1401 : vector<16xf32>
      %sub3A = arith.subf %add3A_1115, %max3A_1402 : vector<16xf32>
      %exp3A = math.exp %sub3A : vector<16xf32>
      %sub3A_1403 = arith.subf %add3A_1210, %max3A_1402 : vector<16xf32>
      %exp3A_1404 = math.exp %sub3A_1403 : vector<16xf32>
      %sub3A_1405 = arith.subf %add3A_1305, %max3A_1402 : vector<16xf32>
      %exp3A_1406 = math.exp %sub3A_1405 : vector<16xf32>
      %sub3A_1407 = arith.subf %add3A_1400, %max3A_1402 : vector<16xf32>
      %exp3A_1408 = math.exp %sub3A_1407 : vector<16xf32>
      %add3A_1409 = arith.addf %exp3A, %exp3A_1404 : vector<16xf32>
      %add3A_1410 = arith.addf %exp3A_1406, %exp3A_1408 : vector<16xf32>
      %add3A_1411 = arith.addf %add3A_1409, %add3A_1410 : vector<16xf32>
      %div3A = arith.constant 1.000000e+00 : f32
      %div3A_1412 = vector.broadcast %div3A : f32 to vector<16xf32>
      %div3A_1413 = arith.divf %div3A_1412, %add3A_1411 : vector<16xf32>
      %mul3A_1414 = arith.mulf %exp3A, %div3A_1413 : vector<16xf32>
      %mul3A_1415 = arith.mulf %exp3A_1404, %div3A_1413 : vector<16xf32>
      %mul3A_1416 = arith.mulf %exp3A_1406, %div3A_1413 : vector<16xf32>
      %mul3A_1417 = arith.mulf %exp3A_1408, %div3A_1413 : vector<16xf32>
      %swap3A = arith.constant 0 : i32
      %swap3A_1418 = arith.index_cast %swap3A : i32 to index
      %swap3A_1419 = arith.index_cast %mul3A_412 : i32 to index
      %swap3A_1420 = tpu.vector_load %arg9[%swap3A_1418, %swap3A_1419] {strides = array<i32>} : memref<4x1024xf32, #tpu.memory_space<vmem>>, vector<16xf32>,
      tpu.vector_store %arg9[%swap3A_1418, %swap3A_1419], %mul3A_1414 {strides = array<i32>} : memref<4x1024xf32, #tpu.memory_space<vmem>>, vector<16xf32>,
      %swap3A_1421 = arith.constant 1 : i32
      %swap3A_1422 = arith.index_cast %swap3A_1421 : i32 to index
      %swap3A_1423 = arith.index_cast %mul3A_412 : i32 to index
      %swap3A_1424 = tpu.vector_load %arg9[%swap3A_1422, %swap3A_1423] {strides = array<i32>} : memref<4x1024xf32, #tpu.memory_space<vmem>>, vector<16xf32>,
      tpu.vector_store %arg9[%swap3A_1422, %swap3A_1423], %mul3A_1415 {strides = array<i32>} : memref<4x1024xf32, #tpu.memory_space<vmem>>, vector<16xf32>,
      %swap3A_1425 = arith.constant 2 : i32
      %swap3A_1426 = arith.index_cast %swap3A_1425 : i32 to index
      %swap3A_1427 = arith.index_cast %mul3A_412 : i32 to index
      %swap3A_1428 = tpu.vector_load %arg9[%swap3A_1426, %swap3A_1427] {strides = array<i32>} : memref<4x1024xf32, #tpu.memory_space<vmem>>, vector<16xf32>,
      tpu.vector_store %arg9[%swap3A_1426, %swap3A_1427], %mul3A_1416 {strides = array<i32>} : memref<4x1024xf32, #tpu.memory_space<vmem>>, vector<16xf32>,
      %swap3A_1429 = arith.constant 3 : i32
      %swap3A_1430 = arith.index_cast %swap3A_1429 : i32 to index
      %swap3A_1431 = arith.index_cast %mul3A_412 : i32 to index
      %swap3A_1432 = tpu.vector_load %arg9[%swap3A_1430, %swap3A_1431] {strides = array<i32>} : memref<4x1024xf32, #tpu.memory_space<vmem>>, vector<16xf32>,
      tpu.vector_store %arg9[%swap3A_1430, %swap3A_1431], %mul3A_1417 {strides = array<i32>} : memref<4x1024xf32, #tpu.memory_space<vmem>>, vector<16xf32>,
      %broadcast_in_dim3A = arith.constant 0 : i32
      %broadcast_in_dim3A_1433 = vector.broadcast %broadcast_in_dim3A : i32 to vector<16xi32>
      %gt3A = arith.cmpf ogt, %add3A_1210, %add3A_1115 : vector<16xf32>
      %select_n3A = arith.select %gt3A, %add3A_1210, %add3A_1115 : vector<16xi1>, vector<16xf32>
      %select_n3A_1434 = arith.select %gt3A, %mul3A_1415, %mul3A_1414 : vector<16xi1>, vector<16xf32>
      %jit3A = arith.constant 1 : i32
      %broadcast_in_dim3A_1435 = vector.broadcast %jit3A : i32 to vector<16xi32>
      %select_n3A_1436 = arith.select %gt3A, %broadcast_in_dim3A_1435, %broadcast_in_dim3A_1433 : vector<16xi1>, vector<16xi32>
      %gt3A_1437 = arith.cmpf ogt, %add3A_1305, %select_n3A : vector<16xf32>
      %select_n3A_1438 = arith.select %gt3A_1437, %add3A_1305, %select_n3A : vector<16xi1>, vector<16xf32>
      %select_n3A_1439 = arith.select %gt3A_1437, %mul3A_1416, %select_n3A_1434 : vector<16xi1>, vector<16xf32>
      %jit3A_1440 = arith.constant 2 : i32
      %broadcast_in_dim3A_1441 = vector.broadcast %jit3A_1440 : i32 to vector<16xi32>
      %select_n3A_1442 = arith.select %gt3A_1437, %broadcast_in_dim3A_1441, %select_n3A_1436 : vector<16xi1>, vector<16xi32>
      %gt3A_1443 = arith.cmpf ogt, %add3A_1400, %select_n3A_1438 : vector<16xf32>
      %select_n3A_1444 = arith.select %gt3A_1443, %add3A_1400, %select_n3A_1438 : vector<16xi1>, vector<16xf32>
      %select_n3A_1445 = arith.select %gt3A_1443, %mul3A_1417, %select_n3A_1439 : vector<16xi1>, vector<16xf32>
      %jit3A_1446 = arith.constant 3 : i32
      %broadcast_in_dim3A_1447 = vector.broadcast %jit3A_1446 : i32 to vector<16xi32>
      %select_n3A_1448 = arith.select %gt3A_1443, %broadcast_in_dim3A_1447, %select_n3A_1442 : vector<16xi1>, vector<16xi32>
      %broadcast_in_dim3A_1449 = arith.constant 0xFF800000 : f32
      %broadcast_in_dim3A_1450 = vector.broadcast %broadcast_in_dim3A_1449 : f32 to vector<16xf32>
      %broadcast_in_dim3A_1451 = arith.constant 0.000000e+00 : f32
      %broadcast_in_dim3A_1452 = vector.broadcast %broadcast_in_dim3A_1451 : f32 to vector<16xf32>
      %broadcast_in_dim3A_1453 = arith.constant 0 : i32
      %broadcast_in_dim3A_1454 = vector.broadcast %broadcast_in_dim3A_1453 : i32 to vector<16xi32>
      %gt3A_1455 = arith.cmpf ogt, %add3A_1115, %broadcast_in_dim3A_1450 : vector<16xf32>
      %ne3A = arith.constant 0 : i32
      %ne3A_1456 = vector.broadcast %ne3A : i32 to vector<16xi32>
      %ne3A_1457 = arith.cmpi ne, %select_n3A_1448, %ne3A_1456 : vector<16xi32>
      %and3A_1458 = arith.andi %gt3A_1455, %ne3A_1457 : vector<16xi1>
      %select_n3A_1459 = arith.select %and3A_1458, %add3A_1115, %broadcast_in_dim3A_1450 : vector<16xi1>, vector<16xf32>
      %select_n3A_1460 = arith.select %and3A_1458, %mul3A_1414, %broadcast_in_dim3A_1452 : vector<16xi1>, vector<16xf32>
      %jit3A_1461 = arith.constant 0 : i32
      %broadcast_in_dim3A_1462 = vector.broadcast %jit3A_1461 : i32 to vector<16xi32>
      %select_n3A_1463 = arith.select %and3A_1458, %broadcast_in_dim3A_1462, %broadcast_in_dim3A_1454 : vector<16xi1>, vector<16xi32>
      %gt3A_1464 = arith.cmpf ogt, %add3A_1210, %select_n3A_1459 : vector<16xf32>
      %ne3A_1465 = arith.constant 1 : i32
      %ne3A_1466 = vector.broadcast %ne3A_1465 : i32 to vector<16xi32>
      %ne3A_1467 = arith.cmpi ne, %select_n3A_1448, %ne3A_1466 : vector<16xi32>
      %and3A_1468 = arith.andi %gt3A_1464, %ne3A_1467 : vector<16xi1>
      %select_n3A_1469 = arith.select %and3A_1468, %add3A_1210, %select_n3A_1459 : vector<16xi1>, vector<16xf32>
      %select_n3A_1470 = arith.select %and3A_1468, %mul3A_1415, %select_n3A_1460 : vector<16xi1>, vector<16xf32>
      %jit3A_1471 = arith.constant 1 : i32
      %broadcast_in_dim3A_1472 = vector.broadcast %jit3A_1471 : i32 to vector<16xi32>
      %select_n3A_1473 = arith.select %and3A_1468, %broadcast_in_dim3A_1472, %select_n3A_1463 : vector<16xi1>, vector<16xi32>
      %gt3A_1474 = arith.cmpf ogt, %add3A_1305, %select_n3A_1469 : vector<16xf32>
      %ne3A_1475 = arith.constant 2 : i32
      %ne3A_1476 = vector.broadcast %ne3A_1475 : i32 to vector<16xi32>
      %ne3A_1477 = arith.cmpi ne, %select_n3A_1448, %ne3A_1476 : vector<16xi32>
      %and3A_1478 = arith.andi %gt3A_1474, %ne3A_1477 : vector<16xi1>
      %select_n3A_1479 = arith.select %and3A_1478, %add3A_1305, %select_n3A_1469 : vector<16xi1>, vector<16xf32>
      %select_n3A_1480 = arith.select %and3A_1478, %mul3A_1416, %select_n3A_1470 : vector<16xi1>, vector<16xf32>
      %jit3A_1481 = arith.constant 2 : i32
      %broadcast_in_dim3A_1482 = vector.broadcast %jit3A_1481 : i32 to vector<16xi32>
      %select_n3A_1483 = arith.select %and3A_1478, %broadcast_in_dim3A_1482, %select_n3A_1473 : vector<16xi1>, vector<16xi32>
      %gt3A_1484 = arith.cmpf ogt, %add3A_1400, %select_n3A_1479 : vector<16xf32>
      %ne3A_1485 = arith.constant 3 : i32
      %ne3A_1486 = vector.broadcast %ne3A_1485 : i32 to vector<16xi32>
      %ne3A_1487 = arith.cmpi ne, %select_n3A_1448, %ne3A_1486 : vector<16xi32>
      %and3A_1488 = arith.andi %gt3A_1484, %ne3A_1487 : vector<16xi1>
      %select_n3A_1489 = arith.select %and3A_1488, %add3A_1400, %select_n3A_1479 : vector<16xi1>, vector<16xf32>
      %select_n3A_1490 = arith.select %and3A_1488, %mul3A_1417, %select_n3A_1480 : vector<16xi1>, vector<16xf32>
      %jit3A_1491 = arith.constant 3 : i32
      %broadcast_in_dim3A_1492 = vector.broadcast %jit3A_1491 : i32 to vector<16xi32>
      %select_n3A_1493 = arith.select %and3A_1488, %broadcast_in_dim3A_1492, %select_n3A_1483 : vector<16xi1>, vector<16xi32>
      %add3A_1494 = arith.addf %select_n3A_1445, %select_n3A_1490 : vector<16xf32>
      %div3A_1495 = arith.constant 1.000000e+00 : f32
      %div3A_1496 = vector.broadcast %div3A_1495 : f32 to vector<16xf32>
      %div3A_1497 = arith.divf %div3A_1496, %add3A_1494 : vector<16xf32>
      %mul3A_1498 = arith.mulf %select_n3A_1445, %div3A_1497 : vector<16xf32>
      %swap3A_1499 = arith.constant 0 : i32
      %swap3A_1500 = arith.index_cast %swap3A_1499 : i32 to index
      %swap3A_1501 = arith.index_cast %mul3A_412 : i32 to index
      %swap3A_1502 = tpu.vector_load %arg10[%swap3A_1500, %swap3A_1501] {strides = array<i32>} : memref<2x1024xf32, #tpu.memory_space<vmem>>, vector<16xf32>,
      tpu.vector_store %arg10[%swap3A_1500, %swap3A_1501], %mul3A_1498 {strides = array<i32>} : memref<2x1024xf32, #tpu.memory_space<vmem>>, vector<16xf32>,
      %mul3A_1503 = arith.mulf %select_n3A_1490, %div3A_1497 : vector<16xf32>
      %swap3A_1504 = arith.constant 1 : i32
      %swap3A_1505 = arith.index_cast %swap3A_1504 : i32 to index
      %swap3A_1506 = arith.index_cast %mul3A_412 : i32 to index
      %swap3A_1507 = tpu.vector_load %arg10[%swap3A_1505, %swap3A_1506] {strides = array<i32>} : memref<2x1024xf32, #tpu.memory_space<vmem>>, vector<16xf32>,
      tpu.vector_store %arg10[%swap3A_1505, %swap3A_1506], %mul3A_1503 {strides = array<i32>} : memref<2x1024xf32, #tpu.memory_space<vmem>>, vector<16xf32>,
      %swap3A_1508 = arith.constant 0 : i32
      %swap3A_1509 = arith.index_cast %swap3A_1508 : i32 to index
      %swap3A_1510 = arith.index_cast %mul3A_412 : i32 to index
      %swap3A_1511 = tpu.vector_load %arg11[%swap3A_1509, %swap3A_1510] {strides = array<i32>} : memref<2x1024xi32, #tpu.memory_space<vmem>>, vector<16xi32>,
      tpu.vector_store %arg11[%swap3A_1509, %swap3A_1510], %select_n3A_1448 {strides = array<i32>} : memref<2x1024xi32, #tpu.memory_space<vmem>>, vector<16xi32>,
      %swap3A_1512 = arith.constant 1 : i32
      %swap3A_1513 = arith.index_cast %swap3A_1512 : i32 to index
      %swap3A_1514 = arith.index_cast %mul3A_412 : i32 to index
      %swap3A_1515 = tpu.vector_load %arg11[%swap3A_1513, %swap3A_1514] {strides = array<i32>} : memref<2x1024xi32, #tpu.memory_space<vmem>>, vector<16xi32>,
      tpu.vector_store %arg11[%swap3A_1513, %swap3A_1514], %select_n3A_1493 {strides = array<i32>} : memref<2x1024xi32, #tpu.memory_space<vmem>>, vector<16xi32>,
    }
    %scan3A_409 = arith.constant 64 : i32
    "tpu.region"() ({
      %run_scoped3A = tpu.sem_alloc : memref<!tpu.dma_semaphore, #tpu.memory_space<semaphore_mem>>
      %dma_start3A = arith.constant 0 : i32
      %dma_start3A_410 = tpu.memref_slice %arg4[%dma_start3A, %mul3A_2] : memref<4x32768xf32, #tpu.memory_space<hbm>> -> memref<4x1024xf32, #tpu.memory_space<hbm>>
      %dma_start3A_411 = arith.constant 0 : i32
      %dma_start3A_412 = tpu.memref_slice %arg4[%dma_start3A_411, %mul3A_2] : memref<4x32768xf32, #tpu.memory_space<hbm>> -> memref<4x1024xf32, #tpu.memory_space<hbm>>
      tpu.enqueue_dma source(%arg9 : memref<4x1024xf32, #tpu.memory_space<vmem>>) target(%dma_start3A_412 : memref<4x1024xf32, #tpu.memory_space<hbm>>) target_semaphore(%run_scoped3A : memref<!tpu.dma_semaphore, #tpu.memory_space<semaphore_mem>>)
      %dma_wait3A = arith.constant 0 : i32
      %dma_wait3A_413 = tpu.memref_slice %arg4[%dma_wait3A, %mul3A_2] : memref<4x32768xf32, #tpu.memory_space<hbm>> -> memref<4x1024xf32, #tpu.memory_space<hbm>>
      %dma_wait3A_414 = arith.constant 0 : i32
      %dma_wait3A_415 = tpu.memref_slice %arg4[%dma_wait3A_414, %mul3A_2] : memref<4x32768xf32, #tpu.memory_space<hbm>> -> memref<4x1024xf32, #tpu.memory_space<hbm>>
      tpu.wait_dma2 semaphore(%run_scoped3A : memref<!tpu.dma_semaphore, #tpu.memory_space<semaphore_mem>>) src(%arg9 : memref<4x1024xf32, #tpu.memory_space<vmem>>) dst(%dma_wait3A_415 : memref<4x1024xf32, #tpu.memory_space<hbm>>)
      tpu.yield
    }) : () -> ()
    "tpu.region"() ({
      %run_scoped3A = tpu.sem_alloc : memref<!tpu.dma_semaphore, #tpu.memory_space<semaphore_mem>>
      %dma_start3A = arith.constant 0 : i32
      %dma_start3A_410 = tpu.memref_slice %arg5[%dma_start3A, %mul3A_2] : memref<2x32768xf32, #tpu.memory_space<hbm>> -> memref<2x1024xf32, #tpu.memory_space<hbm>>
      %dma_start3A_411 = arith.constant 0 : i32
      %dma_start3A_412 = tpu.memref_slice %arg5[%dma_start3A_411, %mul3A_2] : memref<2x32768xf32, #tpu.memory_space<hbm>> -> memref<2x1024xf32, #tpu.memory_space<hbm>>
      tpu.enqueue_dma source(%arg10 : memref<2x1024xf32, #tpu.memory_space<vmem>>) target(%dma_start3A_412 : memref<2x1024xf32, #tpu.memory_space<hbm>>) target_semaphore(%run_scoped3A : memref<!tpu.dma_semaphore, #tpu.memory_space<semaphore_mem>>)
      %dma_wait3A = arith.constant 0 : i32
      %dma_wait3A_413 = tpu.memref_slice %arg5[%dma_wait3A, %mul3A_2] : memref<2x32768xf32, #tpu.memory_space<hbm>> -> memref<2x1024xf32, #tpu.memory_space<hbm>>
      %dma_wait3A_414 = arith.constant 0 : i32
      %dma_wait3A_415 = tpu.memref_slice %arg5[%dma_wait3A_414, %mul3A_2] : memref<2x32768xf32, #tpu.memory_space<hbm>> -> memref<2x1024xf32, #tpu.memory_space<hbm>>
      tpu.wait_dma2 semaphore(%run_scoped3A : memref<!tpu.dma_semaphore, #tpu.memory_space<semaphore_mem>>) src(%arg10 : memref<2x1024xf32, #tpu.memory_space<vmem>>) dst(%dma_wait3A_415 : memref<2x1024xf32, #tpu.memory_space<hbm>>)
      tpu.yield
    }) : () -> ()
    "tpu.region"() ({
      %run_scoped3A = tpu.sem_alloc : memref<!tpu.dma_semaphore, #tpu.memory_space<semaphore_mem>>
      %dma_start3A = arith.constant 0 : i32
      %dma_start3A_410 = tpu.memref_slice %arg6[%dma_start3A, %mul3A_2] : memref<2x32768xi32, #tpu.memory_space<hbm>> -> memref<2x1024xi32, #tpu.memory_space<hbm>>
      %dma_start3A_411 = arith.constant 0 : i32
      %dma_start3A_412 = tpu.memref_slice %arg6[%dma_start3A_411, %mul3A_2] : memref<2x32768xi32, #tpu.memory_space<hbm>> -> memref<2x1024xi32, #tpu.memory_space<hbm>>
      tpu.enqueue_dma source(%arg11 : memref<2x1024xi32, #tpu.memory_space<vmem>>) target(%dma_start3A_412 : memref<2x1024xi32, #tpu.memory_space<hbm>>) target_semaphore(%run_scoped3A : memref<!tpu.dma_semaphore, #tpu.memory_space<semaphore_mem>>)
      %dma_wait3A = arith.constant 0 : i32
      %dma_wait3A_413 = tpu.memref_slice %arg6[%dma_wait3A, %mul3A_2] : memref<2x32768xi32, #tpu.memory_space<hbm>> -> memref<2x1024xi32, #tpu.memory_space<hbm>>
      %dma_wait3A_414 = arith.constant 0 : i32
      %dma_wait3A_415 = tpu.memref_slice %arg6[%dma_wait3A_414, %mul3A_2] : memref<2x32768xi32, #tpu.memory_space<hbm>> -> memref<2x1024xi32, #tpu.memory_space<hbm>>
      tpu.wait_dma2 semaphore(%run_scoped3A : memref<!tpu.dma_semaphore, #tpu.memory_space<semaphore_mem>>) src(%arg11 : memref<2x1024xi32, #tpu.memory_space<vmem>>) dst(%dma_wait3A_415 : memref<2x1024xi32, #tpu.memory_space<hbm>>)
      tpu.yield
    }) : () -> ()
    return
  }
}

</mosaic_0001>

<sc_bundles>
// kernel: kernel.3.cloned.1.call-start
scs
__scs_entry_jumppad:
0x0: {  	(pc) =	sbr.rel $0x88, $3  }
0x1: {  	(tag) =	ssettag $0x0;
	lr =	simm.s32 $0x1  }
0x2: {  	[smem:$0x3F9F] =	sst lr;
	_ =	strace $0xD0000000  }
0x3: {  	_ = 	snop  }
0x4: {  	_ = 	snop  }
0x5: {  	_ = 	snop  }
0x6: {  	_ = 	snop  }
0x7: {  	_ = 	snop  }
__scs_overlays_trampoline_lowered:
0x8: {  	[smem:$0x3FAE] =	sst s0  }
0x9: {  	[smem:$0x3FAF] =	sst s1  }
0xa: {  	[smem:$0x3FB0] =	sst s2  }
0xb: {  	[smem:$0x3FB1] =	sst s3  }
0xc: {  	[smem:$0x3FB2] =	sst s4  }
0xd: {  	[smem:$0x3FB3] =	sst s5  }
0xe: {  	[smem:$0x3FB4] =	sst s6  }
0xf: {  	[smem:$0x3FB5] =	sst s7  }
0x10: {  	[smem:$0x3FB6] =	sst s8  }
0x11: {  	[smem:$0x3FB7] =	sst s9;
	s0 =	simm.s32 @!p0 $0x0  }
0x12: {  	s1 =	sld [smem:$0x3F9D];
	s0 =	simm.s32 @p0 $0x1  }
0x13: {  	[smem:$0x3FB8] =	sst s0;
	s0 =	simm.s32 @!p1 $0x0  }
0x14: {  	s2 =	sld [smem:$0x3F9C];
	s0 =	simm.s32 @p1 $0x1  }
0x15: {  	[smem:$0x3FB9] =	sst s0;
	s0 =	simm.s32 @!p2 $0x0  }
0x16: {  	s3 =	sld [smem:$0x3FDB];
	s0 =	simm.s32 @p2 $0x1  }
0x17: {  	s4 =	simm.s32 $0x1BF5;
	[smem:$0x3FBB] =	sst s0  }
0x18: {  	s0 =	sld [smem:$0x3F9E];
	_ =	swait.ge [sflag:s4], $0x0  }
0x19: {  	s7 =	sld [smem:$0x3F9F]  }
0x1a: {  	s8 =	sadd.s32 $0xFFFFE003, lr  }
0x1b: {  	s9 =	sadd.s32 $0xFFFFFEF7, lr;
	s5 =	simm.s32 $0xFFFFFFFF;
	p2 =	slt.u32 s8, $0xFFFFF086  }
0x1c: {  	p1 =	slt.u32 s9, $0xF7A;
	s5 =	simm.s32 @!p2 $0x0  }
0x1d: {  	s5 =	simm.s32 @p1 $0x1;
	p0 =	seq.s32 s7, s2  }
0x1e: {  	s7 =	smul.u32 @!p0 $0xF7A, s2;
	p2 =	seq.s32 @!p0 s5, $0x0  }
0x1f: {  	s9 =	smul.u32 $0xF7A, s1;
	s8 =	simm.s32 @!p0 $0x1BF5;
	p2 =	por !p2, p0  }
0x20: {  	[sflag:s8] =	ssyncset.s32 @!p0 $0xFFFFF086;
	s6 =	sadd.s32 @!p0 s3, s7;
	s7 =	simm.s32 @!p0 $0x108  }
0x21: {  	s3 =	sadd.s32 s3, s9;
	s6 =	sadd.s32 @!p0 $0x88, s6;
	s7 =	simm.s32 @p2 $0x1082  }
0x22: {  	[simem:s7], [sflag:s8] =	dma.local @!p0 [hbm:s6], $0xF7A  }
0x23: {  	s9 =	sor.u32 $0xD0000000, s2;
	s6 =	simm.s32 $0x108;
	_ =	swait.ge @!p0 [sflag:s8], $0x0  }
0x24: {  	s3 =	sadd.s32 $0x88, s3;
	s6 =	simm.s32 @!p1 $0x1082;
	[sflag:s4] =	ssyncset.s32 $0xFFFFF086  }
0x25: {  	[simem:s6], [sflag:s4] =	dma.local [hbm:s3], $0xF7A  }
0x26: {  	[smem:$0x3F9F] =	sst s1;
	(tag) =	ssettag s2;
	_ =	strace s9  }
0x27: {  	s1 =	sld [smem:$0x3FAF]  }
0x28: {  	s2 =	sld [smem:$0x3FB0]  }
0x29: {  	s4 =	sld [smem:$0x3FB2]  }
0x2a: {  	p0 =	seq.s32 s5, $0x0;
	s5 =	sld [smem:$0x3FB3]  }
0x2b: {  	s6 =	sld [smem:$0x3FB4]  }
0x2c: {  	s7 =	sld [smem:$0x3FB5]  }
0x2d: {  	s3 =	simm.s32 $0x108;
	s8 =	sld [smem:$0x3FB6]  }
0x2e: {  	s3 =	simm.s32 @!p0 $0x1082;
	s9 =	sld [smem:$0x3FB7]  }
0x2f: {  	lr =	sadd.s32 s0, s3;
	s0 =	sld [smem:$0x3FAE]  }
0x30: {  	s3 =	sld [smem:$0x3FB1]  }
0x31: {  	[smem:$0x3FBA] =	sst s10  }
0x32: {  	s10 =	sld [smem:$0x3FB8];
	_ =	sdelay $0x3  }
0x33: {  	p0 =	seq.s32 s10, $0x1;
	s10 =	sld [smem:$0x3FBA];
	_ =	sdelay $0x3  }
0x34: {  	[smem:$0x3FBA] =	sst s10  }
0x35: {  	s10 =	sld [smem:$0x3FB9];
	_ =	sdelay $0x3  }
0x36: {  	p1 =	seq.s32 s10, $0x1;
	s10 =	sld [smem:$0x3FBA];
	_ =	sdelay $0x3  }
0x37: {  	[smem:$0x3FBA] =	sst s10  }
0x38: {  	s10 =	sld [smem:$0x3FBB]  }
0x39: {  	_ = 	snop;
	(pc) =	sbr.ind lr, $3  }
0x3a: {  	_ = 	snop  }
0x3b: {  	_ = 	snop  }
0x3c: {  	p2 =	seq.s32 s10, $0x1;
	s10 =	sld [smem:$0x3FBA]  }
0x3d: {  	_ =	shalt  }
0x3e: {  	_ =	shalt  }
0x3f: {  	_ =	shalt  }
0x40: {  	_ =	shalt  }
0x41: {  	_ =	shalt  }
0x42: {  	_ =	shalt  }
0x43: {  	_ =	shalt  }
0x44: {  	_ =	shalt  }
0x45: {  	_ =	shalt  }
0x46: {  	_ =	shalt  }
0x47: {  	_ =	shalt  }
0x48: {  	_ =	shalt  }
0x49: {  	_ =	shalt  }
0x4a: {  	_ =	shalt  }
0x4b: {  	_ =	shalt  }
0x4c: {  	_ =	shalt  }
0x4d: {  	_ =	shalt  }
0x4e: {  	_ =	shalt  }
0x4f: {  	_ =	shalt  }
0x50: {  	_ =	shalt  }
0x51: {  	_ =	shalt  }
0x52: {  	_ =	shalt  }
0x53: {  	_ =	shalt  }
0x54: {  	_ =	shalt  }
0x55: {  	_ =	shalt  }
0x56: {  	_ =	shalt  }
0x57: {  	_ =	shalt  }
0x58: {  	_ =	shalt  }
0x59: {  	_ =	shalt  }
0x5a: {  	_ =	shalt  }
0x5b: {  	_ =	shalt  }
0x5c: {  	_ =	shalt  }
0x5d: {  	_ =	shalt  }
0x5e: {  	_ =	shalt  }
0x5f: {  	_ =	shalt  }
0x60: {  	_ =	shalt  }
0x61: {  	_ =	shalt  }
0x62: {  	_ =	shalt  }
0x63: {  	_ =	shalt  }
0x64: {  	_ =	shalt  }
0x65: {  	_ =	shalt  }
0x66: {  	_ =	shalt  }
0x67: {  	_ =	shalt  }
0x68: {  	_ =	shalt  }
0x69: {  	_ =	shalt  }
0x6a: {  	_ =	shalt  }
0x6b: {  	_ =	shalt  }
0x6c: {  	_ =	shalt  }
0x6d: {  	_ =	shalt  }
0x6e: {  	_ =	shalt  }
0x6f: {  	_ =	shalt  }
0x70: {  	_ =	shalt  }
0x71: {  	_ =	shalt  }
0x72: {  	_ =	shalt  }
0x73: {  	_ =	shalt  }
0x74: {  	_ =	shalt  }
0x75: {  	_ =	shalt  }
0x76: {  	_ =	shalt  }
0x77: {  	_ =	shalt  }
0x78: {  	_ =	shalt  }
0x79: {  	_ =	shalt  }
0x7a: {  	_ =	shalt  }
0x7b: {  	_ =	shalt  }
0x7c: {  	_ =	shalt  }
0x7d: {  	_ =	shalt  }
0x7e: {  	_ =	shalt  }
0x7f: {  	_ =	shalt  }
0x80: {  	_ =	shalt  }
0x81: {  	_ =	shalt  }
0x82: {  	_ =	shalt  }
0x83: {  	_ =	shalt  }
0x84: {  	_ =	shalt  }
0x85: {  	_ =	shalt  }
0x86: {  	_ =	shalt  }
0x87: {  	_ =	shalt  }
.Lfunc_end0:
.L_simem_size_0:
called_computation_lowered:
.L_overlay_start_0:
0x88: {  	s2 =	sld [smem:$0x3FD9]  }
0x89: {  	s3 =	sld [smem:$0x3FFE];
	_ =	sdelay $0x1  }
0x8a: {  	s1 =	srdreg.scid  }
0x8b: {  	s0 =	sand.u32 $0x1, s1  }
0x8c: {  	s15 =	sshll.u32 s0, $0xA;
	s2 =	sadd.s32 s3, s2  }
0x8d: {  	s2 =	sadd.s32 s2, s15  }
0x8e: {  	[smem:$0x3FC6] =	sst s2  }
0x8f: {  	_ = 	snop  }
0x90: {  	s2 =	sld [smem:$0x3FD0];
	_ =	sdelay $0x1  }
0x91: {  	s16 =	sld [smem:$0x3FC9]  }
0x92: {  	s5 =	simm.s32 $0xA;
	s6 =	simm.s32 $0x10;
	s4 =	sld [smem:$0x3FC8]  }
0x93: {  	[smem:s6], [sflag:s5] =	dma.local [hbm:s2], $0x1  }
0x94: {  	_ =	swait.eq [sflag:s5], $0x1  }
0x95: {  	s17 =	sld [smem:$0x10];
	[sflag:s5] =	ssyncset.done $0x0  }
0x96: {  	s18 =	sld [smem:$0x11];
	[sflag:s5] =	ssyncadd.s32 $0xFFFFFFFF  }
0x97: {  	s19 =	sld [smem:$0x12];
	(tm) =	ssettm $0x1  }
0x98: {  	s7 =	sld [smem:$0x3FFB];
	_ =	sdelay $0x3  }
0x99: {  	_ =	strace s7  }
0x9a: {  	s7 =	sld [smem:$0x3FFC];
	_ =	sdelay $0x3  }
0x9b: {  	_ =	strace s7  }
0x9c: {  	s7 =	sld [smem:$0x3FFD];
	_ =	sdelay $0x3  }
0x9d: {  	_ =	strace s7  }
0x9e: {  	_ =	strace $0x8FFFFFFF  }
0x9f: {  	s20 =	sld [smem:$0x3FDB];
	_ =	sdelay $0x1  }
0xa0: {  	s8 =	simm.s32 $_scs_section_size  }
0xa1: {  	s9 =	simm.s32 $_size__tile_overlayer_lowered;
	s10 =	simm.s32 $_tile_overlayer_lowered  }
0xa2: {  	s23 =	simm.s32 $0x1BFF;
	s22 =	sshll.u32 s10, $0x1;
	s7 =	sadd.s32 s8, s20  }
0xa3: {  	s11 =	simm.s32 $0x0;
	s21 =	sshll.u32 s9, $0x1;
	s9 =	sadd.s32 s22, s7  }
0xa4: {  	[timem:s11], [sflag:s23] =	dma.local [hbm:s9], s21  }
0xa5: {  	_ =	swait.ge [sflag:s23], s21  }
0xa6: {  	s8 =	ssub.s32 $0x0, s21;
	[sflag:s23] =	ssyncset.done $0x0  }
0xa7: {  	[sflag:s23] =	ssyncadd.s32 s8;
	_ =	sdelay $0x1  }
0xa8: {  	s24 =	simm.s32 $0x1B8B  }
0xa9: {  	_ =	swait.ge [sflag:s24], $0x1  }
0xaa: {  	[sflag:s24] =	ssyncset.done $0x0  }
0xab: {  	s25 =	simm.s32 $0x1B8E;
	[sflag:s24] =	ssyncadd.s32 $0xFFFFFFFF  }
0xac: {  	s26 =	simm.s32 $execute0_lowered;
	[smem:$0x3FD2] =	sst s25  }
0xad: {  	s8 =	sshll.u32 s26, $0x1;
	_ =	strace $0x80000046;
	[dreg:$0x1] =	wrdreg $0xFFFFFFFF  }
0xae: {  	s28 =	simm.s32 $_size_execute0_lowered;
	s7 =	sadd.s32 s7, s8;
	[dreg:$0x0] =	wrdreg $0x0  }
0xaf: {  	s8 =	sshll.u32 s28, $0x1;
	[dreg:$0x2] =	wrdreg s7  }
0xb0: {  	[dreg:$0x3] =	wrdreg s8  }
0xb1: {  	[dreg:$0x4] =	wrdreg $0xC0  }
0xb2: {  	_ =	task [dreg:s11], $0x5FFFF  }
0xb3: {  	[dreg:$0x1] =	wrdreg $0xFFFFFFFF  }
0xb4: {  	[dreg:$0x0] =	wrdreg $0x60  }
0xb5: {  	[dreg:$0x2] =	wrdreg s16  }
0xb6: {  	[dreg:$0x3] =	wrdreg s4  }
0xb7: {  	[dreg:$0x4] =	wrdreg s17  }
0xb8: {  	[dreg:$0x5] =	wrdreg s18  }
0xb9: {  	[dreg:$0x6] =	wrdreg s19  }
0xba: {  	[dreg:$0x7] =	wrdreg $0x9  }
0xbb: {  	_ =	task.clear_ibuf [dreg:s11], $0x8FFFF;
	_ =	strace $0x90000046  }
0xbc: {  	s29 =	simm.s32 $0x9;
	_ =	strace $0x80000048  }
0xbd: {  	_ =	swait.ge [sflag:s29], $0x1  }
0xbe: {  	[sflag:s29] =	ssyncadd.s32 $0xFFFFFFFF  }
0xbf: {  	_ =	strace $0x90000048  }
0xc0: {  	_ =	sfence  }
0xc1: {  	s30 =	sld [smem:$0x0];
	_ =	sdelay $0x2  }
0xc2: {  	s31 =	sshll.u32 s1, $0xD;
	s1 =	sshrl.u32 s1, $0x2  }
0xc3: {  	s3 =	sand.u32 $0x4000, s31;
	s1 =	sadd.s32 s1, s30  }
0xc4: {  	s0 =	sor.u32 s3, s0;
	s1 =	sshll.u32 s1, $0x11  }
0xc5: {  	s0 =	sor.u32 s1, s0  }
0xc6: {  	s0 =	sadd.s32 $0x8F2B, s0  }
0xc7: {  	[sflag:s0] =	ssyncadd.remote.s32 $0x1  }
0xc8: {  	_ =	sfence.sel $0xFFFF  }
0xc9: {  	[dreg:$0x0] =	wrdreg $0xFFFFFFFF;
	(pc) =	sbr.abs _section_cstart, $3  }
0xca: {  	[dreg:$0x1] =	wrdreg $0xFFFFFFFF  }
0xcb: {  	_ =	task.clear_ibuf [dreg:s11], $0x2FFFF;
	_ =	strace $0x9FFFFFFF  }
0xcc: {  	(tm) =	ssettm $0x7FFFFFFF  }
0xcd: {  	_ =	shalt  }
tec
execute0_lowered:
.L_overlay_start_1:
0x0: {  	(tag) =	ssettag $0x1  }
0x1: {  	s4 =	rddreg [dreg:$0x0]  }
0x2: {  	s1 =	rddreg [dreg:$0x1]  }
0x3: {  	s5 =	rddreg [dreg:$0x2]  }
0x4: {  	s6 =	rddreg [dreg:$0x3]  }
0x5: {  	s7 =	rddreg [dreg:$0x4];
	s2 =	srdreg.scid  }
0x6: {  	s0 =	rddreg [dreg:$0x5];
	s3 =	simm.s32 $0x0;
	s12 =	simm.s32 $0x40000  }
0x7: {  	s13 =	simm.s32 $0x8200;
	s14 =	simm.s32 $0x9200;
	s15 =	simm.s32 $0x9A00  }
0x8: {  	s16 =	simm.s32 $0x0;
	s8 =	sand.u32 $0x1, s2;
	s2 =	stileid.u32  }
0x9: {  	[smem:$0x7FF] =	sst s3;
	s9 =	ssub.s32 $0x2, s8;
	s11 =	sshll.u32 s2, $0xB  }
0xa: {  	s8 =	sshll.u32 s8, $0xA;
	_ =	strace $0x80000047;
	s10 =	sshrl.u32 s9, $0x1  }
0xb: {  	s8 =	sor.u32 s8, s11;
	s11 =	simm.s32 $0x2000;
	s9 =	ssub.s32 s9, s10  }
0xc: {  	s4 =	sadd.s32 s4, s8;
	s31 =	sshrl.u32 s8, $0x1;
	s8 =	sshrl.u32 s8, $0x2  }
0xd: {  	s10 =	simm.s32 $0x1;
	s5 =	sadd.s32 s5, s31;
	s6 =	sadd.s32 s6, s8  }
0xe: {  	s7 =	sadd.s32 s7, s8;
	s8 =	smax.u32 s9, $0x1;
	s9 =	simm.s32 $0x8000  }
.LBB2_1:
0xf: {  	[tilespmem:s9], [sflag:$0x1] =	stream.linear.gather [hbm4b:s1+s3], $0x200, $0x38;
	[tilespmem:$0xA200] =	vst v63  }
0x10: {  	_ =	swait.ge [sflag:s10], $0x200  }
0x11: {  	[sflag:s10] =	ssyncset.done $0x0  }
0x12: {  	[sflag:s10] =	ssyncadd.s32 $0xFFFFFE00  }
0x13: {  	[tilespmem:s3], [sflag:$0x1] =	stream.strided.gather [hbm4b:s4+s11], $0x8000, s12, s11, $0x38;
	[tilespmem:$0xA200] =	vst v63  }
0x14: {  	_ =	swait.ge [sflag:s10], $0x8000  }
0x15: {  	[sflag:s10] =	ssyncset.done $0x0  }
0x16: {  	[sflag:s10] =	ssyncadd.s32 $0xFFFF8000  }
0x17: {  	v0 =	vld [tilespmem:$0x8000];
	_ =	sdelay $0x4  }
0x18: {  	v1 =	vshrl.u32 v0, $0x10  }
0x19: {  	v1 =	vand.u32 $0x1, v1  }
0x1a: {  	v0 =	vadd.s32 v1, v0  }
0x1b: {  	v0 =	vadd.s32 $0x7FFF, v0  }
0x1c: {  	v0 =	vand.u32 $0xFFFF0000, v0  }
0x1d: {  	v2 =	vbroadcast v0, $0x0;
	_ =	sdelay $0x1  }
0x1e: {  	[tilespmem:$0x1F880] =	vst v2;
	v2 =	vbroadcast v0, $0x1  }
0x1f: {  	v3 =	vbroadcast v0, $0x6  }
0x20: {  	[tilespmem:$0x1F890] =	vst v2;
	v2 =	vbroadcast v0, $0x2  }
0x21: {  	[tilespmem:$0x1F8E0] =	vst v3;
	v3 =	vbroadcast v0, $0x7  }
0x22: {  	[tilespmem:$0x1F8A0] =	vst v2;
	v2 =	vbroadcast v0, $0x3  }
0x23: {  	v1 =	vld [tilespmem:$0x8010];
	[tilespmem:$0x1F8F0] =	vst v3;
	v3 =	vbroadcast v0, $0x8  }
0x24: {  	[tilespmem:$0x1F8B0] =	vst v2;
	v2 =	vbroadcast v0, $0x4  }
0x25: {  	[tilespmem:$0x1F900] =	vst v3;
	v3 =	vbroadcast v0, $0x9  }
0x26: {  	[tilespmem:$0x1F8C0] =	vst v2;
	v2 =	vbroadcast v0, $0x5  }
0x27: {  	[tilespmem:$0x1F910] =	vst v3;
	v3 =	vbroadcast v0, $0xC  }
0x28: {  	[tilespmem:$0x1F8D0] =	vst v2;
	v2 =	vshrl.u32 v1, $0x10  }
0x29: {  	[tilespmem:$0x1F940] =	vst v3;
	v3 =	vbroadcast v0, $0xD;
	v2 =	vand.u32 $0x1, v2  }
0x2a: {  	v1 =	vadd.s32 v2, v1;
	v2 =	vbroadcast v0, $0xA  }
0x2b: {  	[tilespmem:$0x1F950] =	vst v3;
	v3 =	vbroadcast v0, $0xE  }
0x2c: {  	v1 =	vadd.s32 $0x7FFF, v1;
	[tilespmem:$0x1F920] =	vst v2;
	v2 =	vbroadcast v0, $0xB;
	v0 =	vbroadcast v0, $0xF  }
0x2d: {  	v1 =	vand.u32 $0xFFFF0000, v1  }
0x2e: {  	[tilespmem:$0x1F970] =	vst v0;
	v0 =	vbroadcast v1, $0x0  }
0x2f: {  	[tilespmem:$0x1F960] =	vst v3  }
0x30: {  	[tilespmem:$0x1F980] =	vst v0;
	v0 =	vbroadcast v1, $0x1  }
0x31: {  	v3 =	vbroadcast v1, $0x6;
	[tilespmem:$0x1F930] =	vst v2  }
0x32: {  	[tilespmem:$0x1F990] =	vst v0;
	v0 =	vbroadcast v1, $0x2  }
0x33: {  	[tilespmem:$0x1F9E0] =	vst v3;
	v3 =	vbroadcast v1, $0x7  }
0x34: {  	[tilespmem:$0x1F9A0] =	vst v0;
	v0 =	vbroadcast v1, $0x3  }
0x35: {  	v2 =	vld [tilespmem:$0x8080];
	[tilespmem:$0x1F9F0] =	vst v3;
	v3 =	vbroadcast v1, $0x8  }
0x36: {  	[tilespmem:$0x1F9B0] =	vst v0;
	v0 =	vbroadcast v1, $0x4  }
0x37: {  	[tilespmem:$0x1FA00] =	vst v3;
	v3 =	vbroadcast v1, $0x9  }
0x38: {  	[tilespmem:$0x1F9C0] =	vst v0;
	v0 =	vbroadcast v1, $0x5  }
0x39: {  	[tilespmem:$0x1FA10] =	vst v3;
	v3 =	vbroadcast v1, $0xC  }
0x3a: {  	[tilespmem:$0x1F9D0] =	vst v0;
	v0 =	vshrl.u32 v2, $0x10  }
0x3b: {  	[tilespmem:$0x1FA40] =	vst v3;
	v3 =	vbroadcast v1, $0xD;
	v0 =	vand.u32 $0x1, v0  }
0x3c: {  	v0 =	vadd.s32 v0, v2;
	v2 =	vbroadcast v1, $0xA  }
0x3d: {  	[tilespmem:$0x1FA50] =	vst v3;
	v3 =	vbroadcast v1, $0xE  }
0x3e: {  	v0 =	vadd.s32 $0x7FFF, v0;
	[tilespmem:$0x1FA20] =	vst v2;
	v2 =	vbroadcast v1, $0xB;
	v1 =	vbroadcast v1, $0xF  }
0x3f: {  	v0 =	vand.u32 $0xFFFF0000, v0  }
0x40: {  	[tilespmem:$0x1FA70] =	vst v1;
	v1 =	vbroadcast v0, $0x0  }
0x41: {  	[tilespmem:$0x1FA60] =	vst v3  }
0x42: {  	[tilespmem:$0x1FA80] =	vst v1;
	v1 =	vbroadcast v0, $0x1  }
0x43: {  	v3 =	vbroadcast v0, $0x6;
	[tilespmem:$0x1FA30] =	vst v2  }
0x44: {  	[tilespmem:$0x1FA90] =	vst v1;
	v1 =	vbroadcast v0, $0x2  }
0x45: {  	[tilespmem:$0x1FAE0] =	vst v3;
	v3 =	vbroadcast v0, $0x7  }
0x46: {  	[tilespmem:$0x1FAA0] =	vst v1;
	v1 =	vbroadcast v0, $0x3  }
0x47: {  	v2 =	vld [tilespmem:$0x8090];
	[tilespmem:$0x1FAF0] =	vst v3;
	v3 =	vbroadcast v0, $0x8  }
0x48: {  	[tilespmem:$0x1FAB0] =	vst v1;
	v1 =	vbroadcast v0, $0x4  }
0x49: {  	[tilespmem:$0x1FB00] =	vst v3;
	v3 =	vbroadcast v0, $0x9  }
0x4a: {  	[tilespmem:$0x1FAC0] =	vst v1;
	v1 =	vbroadcast v0, $0x5  }
0x4b: {  	[tilespmem:$0x1FB10] =	vst v3;
	v3 =	vbroadcast v0, $0xC  }
0x4c: {  	[tilespmem:$0x1FAD0] =	vst v1;
	v1 =	vshrl.u32 v2, $0x10  }
0x4d: {  	[tilespmem:$0x1FB40] =	vst v3;
	v3 =	vbroadcast v0, $0xD;
	v1 =	vand.u32 $0x1, v1  }
0x4e: {  	v1 =	vadd.s32 v1, v2;
	v2 =	vbroadcast v0, $0xA  }
0x4f: {  	[tilespmem:$0x1FB50] =	vst v3;
	v3 =	vbroadcast v0, $0xE  }
0x50: {  	v1 =	vadd.s32 $0x7FFF, v1;
	[tilespmem:$0x1FB20] =	vst v2;
	v2 =	vbroadcast v0, $0xB;
	v0 =	vbroadcast v0, $0xF  }
0x51: {  	v1 =	vand.u32 $0xFFFF0000, v1  }
0x52: {  	[tilespmem:$0x1FB70] =	vst v0;
	v0 =	vbroadcast v1, $0x0  }
0x53: {  	[tilespmem:$0x1FB60] =	vst v3  }
0x54: {  	[tilespmem:$0x1FB80] =	vst v0;
	v0 =	vbroadcast v1, $0x1  }
0x55: {  	v3 =	vbroadcast v1, $0x6;
	[tilespmem:$0x1FB30] =	vst v2  }
0x56: {  	[tilespmem:$0x1FB90] =	vst v0;
	v0 =	vbroadcast v1, $0x2  }
0x57: {  	[tilespmem:$0x1FBE0] =	vst v3;
	v3 =	vbroadcast v1, $0x7  }
0x58: {  	[tilespmem:$0x1FBA0] =	vst v0;
	v0 =	vbroadcast v1, $0x3  }
0x59: {  	v2 =	vld [tilespmem:$0x8100];
	[tilespmem:$0x1FBF0] =	vst v3;
	v3 =	vbroadcast v1, $0x8  }
0x5a: {  	[tilespmem:$0x1FBB0] =	vst v0;
	v0 =	vbroadcast v1, $0x4  }
0x5b: {  	[tilespmem:$0x1FC00] =	vst v3;
	v3 =	vbroadcast v1, $0x9  }
0x5c: {  	[tilespmem:$0x1FBC0] =	vst v0;
	v0 =	vbroadcast v1, $0x5  }
0x5d: {  	[tilespmem:$0x1FC10] =	vst v3;
	v3 =	vbroadcast v1, $0xC  }
0x5e: {  	[tilespmem:$0x1FBD0] =	vst v0;
	v0 =	vshrl.u32 v2, $0x10  }
0x5f: {  	[tilespmem:$0x1FC40] =	vst v3;
	v3 =	vbroadcast v1, $0xD;
	v0 =	vand.u32 $0x1, v0  }
0x60: {  	v0 =	vadd.s32 v0, v2;
	v2 =	vbroadcast v1, $0xA  }
0x61: {  	[tilespmem:$0x1FC50] =	vst v3;
	v3 =	vbroadcast v1, $0xE  }
0x62: {  	v0 =	vadd.s32 $0x7FFF, v0;
	[tilespmem:$0x1FC20] =	vst v2;
	v2 =	vbroadcast v1, $0xB;
	v1 =	vbroadcast v1, $0xF  }
0x63: {  	v0 =	vand.u32 $0xFFFF0000, v0  }
0x64: {  	[tilespmem:$0x1FC70] =	vst v1;
	v1 =	vbroadcast v0, $0x0  }
0x65: {  	[tilespmem:$0x1FC60] =	vst v3  }
0x66: {  	[tilespmem:$0x1FC80] =	vst v1;
	v1 =	vbroadcast v0, $0x1  }
0x67: {  	v3 =	vbroadcast v0, $0x6;
	[tilespmem:$0x1FC30] =	vst v2  }
0x68: {  	[tilespmem:$0x1FC90] =	vst v1;
	v1 =	vbroadcast v0, $0x2  }
0x69: {  	[tilespmem:$0x1FCE0] =	vst v3;
	v3 =	vbroadcast v0, $0x7  }
0x6a: {  	[tilespmem:$0x1FCA0] =	vst v1;
	v1 =	vbroadcast v0, $0x3  }
0x6b: {  	v2 =	vld [tilespmem:$0x8110];
	[tilespmem:$0x1FCF0] =	vst v3;
	v3 =	vbroadcast v0, $0x8  }
0x6c: {  	[tilespmem:$0x1FCB0] =	vst v1;
	v1 =	vbroadcast v0, $0x4  }
0x6d: {  	[tilespmem:$0x1FD00] =	vst v3;
	v3 =	vbroadcast v0, $0x9  }
0x6e: {  	[tilespmem:$0x1FCC0] =	vst v1;
	v1 =	vbroadcast v0, $0x5  }
0x6f: {  	[tilespmem:$0x1FD10] =	vst v3;
	v3 =	vbroadcast v0, $0xC  }
0x70: {  	[tilespmem:$0x1FCD0] =	vst v1;
	v1 =	vshrl.u32 v2, $0x10  }
0x71: {  	[tilespmem:$0x1FD40] =	vst v3;
	v3 =	vbroadcast v0, $0xD;
	v1 =	vand.u32 $0x1, v1  }
0x72: {  	v1 =	vadd.s32 v1, v2;
	v2 =	vbroadcast v0, $0xA  }
0x73: {  	[tilespmem:$0x1FD50] =	vst v3;
	v3 =	vbroadcast v0, $0xE  }
0x74: {  	v1 =	vadd.s32 $0x7FFF, v1;
	[tilespmem:$0x1FD20] =	vst v2;
	v2 =	vbroadcast v0, $0xB;
	v0 =	vbroadcast v0, $0xF  }
0x75: {  	v1 =	vand.u32 $0xFFFF0000, v1  }
0x76: {  	[tilespmem:$0x1FD70] =	vst v0;
	v0 =	vbroadcast v1, $0x0  }
0x77: {  	[tilespmem:$0x1FD60] =	vst v3  }
0x78: {  	[tilespmem:$0x1FD80] =	vst v0;
	v0 =	vbroadcast v1, $0x1  }
0x79: {  	v3 =	vbroadcast v1, $0x6;
	[tilespmem:$0x1FD30] =	vst v2  }
0x7a: {  	[tilespmem:$0x1FD90] =	vst v0;
	v0 =	vbroadcast v1, $0x2  }
0x7b: {  	[tilespmem:$0x1FDE0] =	vst v3;
	v3 =	vbroadcast v1, $0x7  }
0x7c: {  	[tilespmem:$0x1FDA0] =	vst v0;
	v0 =	vbroadcast v1, $0x3  }
0x7d: {  	v2 =	vld [tilespmem:$0x8180];
	[tilespmem:$0x1FDF0] =	vst v3;
	v3 =	vbroadcast v1, $0x8  }
0x7e: {  	[tilespmem:$0x1FDB0] =	vst v0;
	v0 =	vbroadcast v1, $0x4  }
0x7f: {  	[tilespmem:$0x1FE00] =	vst v3;
	v3 =	vbroadcast v1, $0x9  }
0x80: {  	[tilespmem:$0x1FDC0] =	vst v0;
	v0 =	vbroadcast v1, $0x5  }
0x81: {  	[tilespmem:$0x1FE10] =	vst v3;
	v3 =	vbroadcast v1, $0xC  }
0x82: {  	[tilespmem:$0x1FDD0] =	vst v0;
	v0 =	vshrl.u32 v2, $0x10  }
0x83: {  	[tilespmem:$0x1FE40] =	vst v3;
	v3 =	vbroadcast v1, $0xD;
	v0 =	vand.u32 $0x1, v0  }
0x84: {  	v0 =	vadd.s32 v0, v2;
	v2 =	vbroadcast v1, $0xA  }
0x85: {  	[tilespmem:$0x1FE50] =	vst v3;
	v3 =	vbroadcast v1, $0xE  }
0x86: {  	v0 =	vadd.s32 $0x7FFF, v0;
	[tilespmem:$0x1FE20] =	vst v2;
	v2 =	vbroadcast v1, $0xB;
	v1 =	vbroadcast v1, $0xF  }
0x87: {  	v0 =	vand.u32 $0xFFFF0000, v0  }
0x88: {  	[tilespmem:$0x1FE70] =	vst v1;
	v1 =	vbroadcast v0, $0x0;
	_ =	sdelay $0x1  }
0x89: {  	[tilespmem:$0x1FE80] =	vst v1;
	v1 =	vbroadcast v0, $0x1;
	_ =	sdelay $0x1  }
0x8a: {  	[tilespmem:$0x1FE90] =	vst v1;
	v1 =	vbroadcast v0, $0x2;
	_ =	sdelay $0x1  }
0x8b: {  	[tilespmem:$0x1FEA0] =	vst v1;
	v1 =	vbroadcast v0, $0x3  }
0x8c: {  	[tilespmem:$0x1FE30] =	vst v2;
	v2 =	vld [tilespmem:$0x8190]  }
0x8d: {  	[tilespmem:$0x1FEB0] =	vst v1;
	v1 =	vbroadcast v0, $0x4;
	_ =	sdelay $0x1  }
0x8e: {  	[tilespmem:$0x1FEC0] =	vst v1;
	v1 =	vbroadcast v0, $0x5;
	_ =	sdelay $0x1  }
0x8f: {  	[tilespmem:$0x1FED0] =	vst v1;
	v1 =	vshrl.u32 v2, $0x10  }
0x90: {  	v1 =	vand.u32 $0x1, v1  }
0x91: {  	v1 =	vadd.s32 v1, v2;
	v2 =	vbroadcast v0, $0xA  }
0x92: {  	[tilespmem:$0x1FE60] =	vst v3;
	v3 =	vbroadcast v0, $0x6  }
0x93: {  	[tilespmem:$0x1FF20] =	vst v2;
	v2 =	vbroadcast v0, $0xB  }
0x94: {  	[tilespmem:$0x1FEE0] =	vst v3;
	v3 =	vbroadcast v0, $0x7  }
0x95: {  	[tilespmem:$0x1FF30] =	vst v2;
	v2 =	vbroadcast v0, $0xC  }
0x96: {  	[tilespmem:$0x1FEF0] =	vst v3;
	v3 =	vbroadcast v0, $0x8  }
0x97: {  	[tilespmem:$0x1FF40] =	vst v2;
	v2 =	vbroadcast v0, $0xD  }
0x98: {  	[tilespmem:$0x1FF00] =	vst v3;
	v3 =	vbroadcast v0, $0x9  }
0x99: {  	v1 =	vadd.s32 $0x7FFF, v1;
	[tilespmem:$0x1FF50] =	vst v2;
	v2 =	vbroadcast v0, $0xE;
	v0 =	vbroadcast v0, $0xF  }
0x9a: {  	v1 =	vand.u32 $0xFFFF0000, v1  }
0x9b: {  	[tilespmem:$0x1FF70] =	vst v0;
	v0 =	vbroadcast v1, $0x0;
	_ =	sdelay $0x1  }
0x9c: {  	[tilespmem:$0x1FF80] =	vst v0;
	v0 =	vbroadcast v1, $0x1;
	_ =	sdelay $0x1  }
0x9d: {  	[tilespmem:$0x1FF90] =	vst v0;
	v0 =	vbroadcast v1, $0x2;
	_ =	sdelay $0x1  }
0x9e: {  	[tilespmem:$0x1FFA0] =	vst v0;
	v0 =	vbroadcast v1, $0x3;
	_ =	sdelay $0x1  }
0x9f: {  	[tilespmem:$0x1FFB0] =	vst v0;
	v0 =	vbroadcast v1, $0x4;
	_ =	sdelay $0x1  }
0xa0: {  	[tilespmem:$0x1FFC0] =	vst v0;
	v0 =	vbroadcast v1, $0x5;
	_ =	sdelay $0x1  }
0xa1: {  	v57 =	vbroadcast v1, $0x8;
	[tilespmem:$0x1FFD0] =	vst v0;
	v0 =	vbroadcast v1, $0x6  }
0xa2: {  	[tilespmem:$0x1FF10] =	vst v3;
	v58 =	vbroadcast v1, $0x9;
	v59 =	vbroadcast v1, $0xA  }
0xa3: {  	v60 =	vbroadcast v1, $0xB;
	[tilespmem:$0x1FFE0] =	vst v0;
	v0 =	vbroadcast v1, $0x7  }
0xa4: {  	v61 =	vbroadcast v1, $0xC;
	v62 =	vbroadcast v1, $0xD;
	[tilespmem:$0x1FF60] =	vst v2  }
0xa5: {  	s17 =	simm.s32 $0x0;
	s18 =	simm.s32 $0x0;
	v63 =	vbroadcast v1, $0xE;
	[tilespmem:$0x1FFF0] =	vst v0;
	v0 =	vbroadcast v1, $0xF  }
.LBB2_2:
0xa6: {  	s20 =	sshll.u32 s18, $0x7  }
0xa7: {  	s19 =	sand.u32 $0x70, s17;
	s20 =	sand.u32 $0x3FFFFC00, s20  }
0xa8: {  	s20 =	sor.u32 s19, s20  }
0xa9: {  	v1 =	vld [tilespmem:s20+$0x0]  }
0xaa: {  	v2 =	vld [tilespmem:s20+$0x80]  }
0xab: {  	v3 =	vld [tilespmem:s20+$0x100]  }
0xac: {  	v5 =	vld [tilespmem:s20+$0x180]  }
0xad: {  	v7 =	vld [tilespmem:s20+$0x200]  }
0xae: {  	v8 =	vld [tilespmem:s20+$0x280]  }
0xaf: {  	v9 =	vld [tilespmem:s20+$0x300]  }
0xb0: {  	v10 =	vld [tilespmem:s20+$0x380]  }
0xb1: {  	v11 =	vld [tilespmem:s20+$0x2000]  }
0xb2: {  	v12 =	vld [tilespmem:s20+$0x2080]  }
0xb3: {  	v13 =	vld [tilespmem:s20+$0x2100]  }
0xb4: {  	v14 =	vld [tilespmem:s20+$0x2180]  }
0xb5: {  	v15 =	vld [tilespmem:s20+$0x2200]  }
0xb6: {  	v16 =	vld [tilespmem:s20+$0x2280]  }
0xb7: {  	v17 =	vld [tilespmem:s20+$0x2300]  }
0xb8: {  	v18 =	vld [tilespmem:s20+$0x2380]  }
0xb9: {  	v19 =	vld [tilespmem:s20+$0x4000];
	v4 =	vshrl.u32 v1, $0x10;
	v6 =	vshrl.u32 v2, $0x10  }
0xba: {  	v20 =	vld [tilespmem:s20+$0x4080];
	v22 =	vshrl.u32 v3, $0x10;
	v24 =	vshrl.u32 v5, $0x10;
	v25 =	vshrl.u32 v7, $0x10  }
0xbb: {  	v27 =	vshrl.u32 v8, $0x10;
	v28 =	vshrl.u32 v9, $0x10;
	v29 =	vshrl.u32 v10, $0x10  }
0xbc: {  	v30 =	vshrl.u32 v11, $0x10;
	v31 =	vshrl.u32 v12, $0x10;
	v32 =	vshrl.u32 v13, $0x10  }
0xbd: {  	v33 =	vshrl.u32 v14, $0x10;
	v34 =	vshrl.u32 v15, $0x10;
	v35 =	vshrl.u32 v16, $0x10  }
0xbe: {  	v36 =	vshrl.u32 v17, $0x10;
	v37 =	vshrl.u32 v18, $0x10;
	v38 =	vshrl.u32 v19, $0x10  }
0xbf: {  	v39 =	vshrl.u32 v20, $0x10;
	v4 =	vand.u32 $0x1, v4;
	v21 =	vand.u32 $0x1, v6  }
0xc0: {  	v23 =	vand.u32 $0x1, v22;
	v26 =	vand.u32 $0x1, v25;
	v6 =	vand.u32 $0x1, v27  }
0xc1: {  	v1 =	vadd.s32 v4, v1;
	v2 =	vadd.s32 v21, v2;
	v3 =	vadd.s32 v23, v3  }
0xc2: {  	v4 =	vand.u32 $0x1, v24;
	v6 =	vadd.s32 v6, v8;
	v8 =	vand.u32 $0x1, v29  }
0xc3: {  	v1 =	vadd.s32 $0x7FFF, v1;
	v2 =	vadd.s32 $0x7FFF, v2;
	v3 =	vadd.s32 $0x7FFF, v3  }
0xc4: {  	v4 =	vadd.s32 v4, v5;
	v5 =	vadd.s32 v26, v7;
	v6 =	vadd.s32 $0x7FFF, v6  }
0xc5: {  	v7 =	vand.u32 $0x1, v28;
	v8 =	vadd.s32 v8, v10;
	v10 =	vand.u32 $0x1, v31  }
0xc6: {  	v1 =	vand.u32 $0xFFFF0000, v1;
	v2 =	vand.u32 $0xFFFF0000, v2;
	v3 =	vand.u32 $0xFFFF0000, v3  }
0xc7: {  	v53 =	vld [tilespmem:$0x1F890];
	v4 =	vadd.s32 $0x7FFF, v4;
	v5 =	vadd.s32 $0x7FFF, v5;
	v6 =	vand.u32 $0xFFFF0000, v6  }
0xc8: {  	v52 =	vld [tilespmem:$0x1F880];
	v7 =	vadd.s32 v7, v9;
	v9 =	vand.u32 $0x1, v30;
	v8 =	vadd.s32 $0x7FFF, v8  }
0xc9: {  	v22 =	vld [tilespmem:s20+$0x4180];
	v10 =	vadd.s32 v10, v12;
	v12 =	vand.u32 $0x1, v33;
	v4 =	vand.u32 $0xFFFF0000, v4  }
0xca: {  	v25 =	vld [tilespmem:s20+$0x4300];
	v5 =	vand.u32 $0xFFFF0000, v5;
	v7 =	vadd.s32 $0x7FFF, v7;
	v9 =	vadd.s32 v9, v11  }
0xcb: {  	v27 =	vld [tilespmem:s20+$0x6000];
	v8 =	vand.u32 $0xFFFF0000, v8;
	v11 =	vand.u32 $0x1, v32;
	v10 =	vadd.s32 $0x7FFF, v10  }
0xcc: {  	v21 =	vld [tilespmem:s20+$0x4100];
	v12 =	vadd.s32 v12, v14;
	v14 =	vand.u32 $0x1, v35;
	v35 =	vmul.f32 v2, v53  }
0xcd: {  	v23 =	vld [tilespmem:s20+$0x4200];
	v7 =	vand.u32 $0xFFFF0000, v7;
	v9 =	vadd.s32 $0x7FFF, v9;
	v11 =	vadd.s32 v11, v13  }
0xce: {  	v24 =	vld [tilespmem:s20+$0x4280];
	v10 =	vand.u32 $0xFFFF0000, v10;
	v12 =	vadd.s32 $0x7FFF, v12;
	v13 =	vand.u32 $0x1, v34  }
0xcf: {  	v29 =	vld [tilespmem:s20+$0x6100];
	v14 =	vadd.s32 v14, v16;
	v16 =	vand.u32 $0x1, v37;
	v41 =	vshrl.u32 v22, $0x10  }
0xd0: {  	v54 =	vld [tilespmem:$0x1F8A0];
	v44 =	vshrl.u32 v25, $0x10;
	v46 =	vshrl.u32 v27, $0x10;
	v34 =	vmul.f32 v1, v52  }
0xd1: {  	v26 =	vld [tilespmem:s20+$0x4380];
	v9 =	vand.u32 $0xFFFF0000, v9;
	v11 =	vadd.s32 $0x7FFF, v11;
	v12 =	vand.u32 $0xFFFF0000, v12  }
0xd2: {  	v28 =	vld [tilespmem:s20+$0x6080];
	v13 =	vadd.s32 v13, v15;
	v15 =	vand.u32 $0x1, v36;
	v14 =	vadd.s32 $0x7FFF, v14  }
0xd3: {  	v31 =	vld [tilespmem:s20+$0x6200];
	v16 =	vadd.s32 v16, v18;
	v18 =	vand.u32 $0x1, v39;
	v40 =	vshrl.u32 v21, $0x10  }
0xd4: {  	v42 =	vshrl.u32 v23, $0x10;
	v43 =	vshrl.u32 v24, $0x10;
	v48 =	vshrl.u32 v29, $0x10  }
0xd5: {  	v36 =	vmul.f32 v3, v54;
	v11 =	vand.u32 $0xFFFF0000, v11;
	v13 =	vadd.s32 $0x7FFF, v13  }
0xd6: {  	v30 =	vld [tilespmem:s20+$0x6180];
	v15 =	vadd.s32 v15, v17;
	v14 =	vand.u32 $0xFFFF0000, v14;
	v17 =	vand.u32 $0x1, v38  }
0xd7: {  	v33 =	vld [tilespmem:s20+$0x6300];
	v16 =	vadd.s32 $0x7FFF, v16;
	v18 =	vadd.s32 v18, v20;
	v20 =	vand.u32 $0x1, v41  }
0xd8: {  	v45 =	vshrl.u32 v26, $0x10;
	v47 =	vshrl.u32 v28, $0x10;
	v50 =	vshrl.u32 v31, $0x10  }
0xd9: {  	v34 =	vadd.f32 v35, v34;
	v13 =	vand.u32 $0xFFFF0000, v13;
	v15 =	vadd.s32 $0x7FFF, v15  }
0xda: {  	v32 =	vld [tilespmem:s20+$0x6280];
	v17 =	vadd.s32 v17, v19;
	v16 =	vand.u32 $0xFFFF0000, v16;
	v18 =	vadd.s32 $0x7FFF, v18  }
0xdb: {  	v56 =	vld [tilespmem:s20+$0x6380];
	v19 =	vand.u32 $0x1, v40;
	v20 =	vadd.s32 v20, v22;
	v22 =	vand.u32 $0x1, v43  }
0xdc: {  	v53 =	vld [tilespmem:$0x1F9C0];
	v49 =	vshrl.u32 v30, $0x10;
	v55 =	vshrl.u32 v33, $0x10;
	v15 =	vand.u32 $0xFFFF0000, v15  }
0xdd: {  	v37 =	vld [tilespmem:$0x1F8B0];
	v17 =	vadd.s32 $0x7FFF, v17;
	v18 =	vand.u32 $0xFFFF0000, v18;
	v19 =	vadd.s32 v19, v21  }
0xde: {  	v52 =	vld [tilespmem:$0x1F9B0];
	v21 =	vand.u32 $0x1, v42;
	v20 =	vadd.s32 $0x7FFF, v20;
	v22 =	vadd.s32 v22, v24  }
0xdf: {  	v39 =	vld [tilespmem:$0x1F8D0];
	v24 =	vand.u32 $0x1, v45;
	v51 =	vshrl.u32 v32, $0x10;
	v17 =	vand.u32 $0xFFFF0000, v17  }
0xe0: {  	v54 =	vld [tilespmem:$0x1F9D0];
	v19 =	vadd.s32 $0x7FFF, v19;
	v21 =	vadd.s32 v21, v23;
	v20 =	vand.u32 $0xFFFF0000, v20  }
0xe1: {  	v38 =	vld [tilespmem:$0x1F8C0];
	v23 =	vand.u32 $0x1, v44;
	v22 =	vadd.s32 $0x7FFF, v22;
	v24 =	vadd.s32 v24, v26  }
0xe2: {  	v41 =	vld [tilespmem:$0x1F900];
	v26 =	vand.u32 $0x1, v47;
	v37 =	vmul.f32 v4, v37;
	v19 =	vand.u32 $0xFFFF0000, v19  }
0xe3: {  	v35 =	vld [tilespmem:$0x1FA00];
	v21 =	vadd.s32 $0x7FFF, v21;
	v23 =	vadd.s32 v23, v25;
	v22 =	vand.u32 $0xFFFF0000, v22  }
0xe4: {  	v40 =	vld [tilespmem:$0x1F8E0];
	v24 =	vadd.s32 $0x7FFF, v24;
	v25 =	vand.u32 $0x1, v46;
	v26 =	vadd.s32 v26, v28  }
0xe5: {  	v43 =	vld [tilespmem:$0x1F920];
	v28 =	vand.u32 $0x1, v49;
	v39 =	vmul.f32 v6, v39;
	v46 =	vshrl.u32 v56, $0x10  }
0xe6: {  	v42 =	vld [tilespmem:$0x1F910];
	v52 =	vmul.f32 v20, v52;
	v21 =	vand.u32 $0xFFFF0000, v21;
	v23 =	vadd.s32 $0x7FFF, v23  }
0xe7: {  	v45 =	vld [tilespmem:$0x1F940];
	v24 =	vand.u32 $0xFFFF0000, v24;
	v25 =	vadd.s32 v25, v27;
	v27 =	vand.u32 $0x1, v48  }
0xe8: {  	v44 =	vld [tilespmem:$0x1F930];
	v26 =	vadd.s32 $0x7FFF, v26;
	v28 =	vadd.s32 v28, v30;
	v30 =	vand.u32 $0x1, v51  }
0xe9: {  	v47 =	vld [tilespmem:$0x1F950];
	v38 =	vmul.f32 v5, v38;
	v41 =	vmul.f32 v9, v41;
	v46 =	vand.u32 $0x1, v46  }
0xea: {  	v49 =	vld [tilespmem:$0x1F970];
	v54 =	vmul.f32 v22, v54;
	v36 =	vadd.f32 v37, v36;
	v23 =	vand.u32 $0xFFFF0000, v23  }
0xeb: {  	v48 =	vld [tilespmem:$0x1F960];
	v25 =	vadd.s32 $0x7FFF, v25;
	v27 =	vadd.s32 v27, v29;
	v26 =	vand.u32 $0xFFFF0000, v26  }
0xec: {  	v51 =	vld [tilespmem:$0x1F990];
	v29 =	vand.u32 $0x1, v50;
	v28 =	vadd.s32 $0x7FFF, v28;
	v30 =	vadd.s32 v30, v32  }
0xed: {  	v37 =	vld [tilespmem:$0x1FA10];
	v40 =	vmul.f32 v7, v40;
	v43 =	vmul.f32 v11, v43;
	v32 =	vadd.s32 v46, v56  }
0xee: {  	v50 =	vld [tilespmem:$0x1F8F0];
	v53 =	vmul.f32 v21, v53;
	v25 =	vand.u32 $0xFFFF0000, v25;
	v27 =	vadd.s32 $0x7FFF, v27  }
0xef: {  	v56 =	vld [tilespmem:$0x1F9F0];
	v29 =	vadd.s32 v29, v31;
	v28 =	vand.u32 $0xFFFF0000, v28;
	v30 =	vadd.s32 $0x7FFF, v30  }
0xf0: {  	v31 =	vand.u32 $0x1, v55;
	v42 =	vmul.f32 v10, v42;
	v45 =	vmul.f32 v13, v45;
	v55 =	vld [tilespmem:$0x1F9E0]  }
0xf1: {  	v32 =	vadd.s32 $0x7FFF, v32;
	v38 =	vadd.f32 v39, v38;
	v46 =	vmul.f32 v18, v51;
	v51 =	vld [tilespmem:$0x1F9A0]  }
0xf2: {  	v39 =	vld [tilespmem:$0x1FA20];
	v34 =	vadd.f32 v36, v34;
	v27 =	vand.u32 $0xFFFF0000, v27;
	v44 =	vmul.f32 v12, v44  }
0xf3: {  	v47 =	vmul.f32 v14, v47;
	v49 =	vmul.f32 v16, v49;
	v41 =	vadd.f32 v42, v41;
	v42 =	vld [tilespmem:$0x1FA40]  }
0xf4: {  	v31 =	vadd.s32 v31, v33;
	v48 =	vmul.f32 v15, v48;
	v33 =	vmul.f32 v8, v50;
	v50 =	vld [tilespmem:$0x1F980]  }
0xf5: {  	v29 =	vadd.s32 $0x7FFF, v29;
	v30 =	vand.u32 $0xFFFF0000, v30;
	v43 =	vadd.f32 v44, v43;
	v44 =	vld [tilespmem:$0x1FA50]  }
0xf6: {  	v45 =	vadd.f32 v47, v45;
	v47 =	vadd.f32 v49, v48;
	v48 =	vld [tilespmem:$0x1FA60];
	v51 =	vmul.f32 v19, v51  }
0xf7: {  	v32 =	vand.u32 $0xFFFF0000, v32;
	v35 =	vmul.f32 v25, v35;
	v33 =	vadd.f32 v33, v40;
	v40 =	vld [tilespmem:$0x1FA30]  }
0xf8: {  	v29 =	vand.u32 $0xFFFF0000, v29;
	v31 =	vadd.s32 $0x7FFF, v31;
	v49 =	vadd.f32 v52, v51;
	v52 =	vld [tilespmem:$0x1FA70]  }
0xf9: {  	v37 =	vmul.f32 v26, v37;
	v50 =	vmul.f32 v17, v50;
	v51 =	vadd.f32 v54, v53;
	v53 =	vld [tilespmem:$0x1FAC0]  }
0xfa: {  	v31 =	vand.u32 $0xFFFF0000, v31;
	v56 =	vmul.f32 v24, v56;
	v55 =	vmul.f32 v23, v55;
	v54 =	vld [tilespmem:$0x1FAD0]  }
0xfb: {  	v39 =	vmul.f32 v27, v39;
	v35 =	vadd.f32 v37, v35;
	v46 =	vadd.f32 v46, v50  }
0xfc: {  	v36 =	vadd.f32 v43, v41;
	v42 =	vmul.f32 v29, v42;
	v44 =	vmul.f32 v30, v44  }
0xfd: {  	v48 =	vmul.f32 v31, v48;
	v40 =	vmul.f32 v28, v40;
	v41 =	vadd.f32 v49, v46;
	v49 =	vld [tilespmem:$0x1FA80]  }
0xfe: {  	v33 =	vadd.f32 v33, v38;
	v50 =	vmul.f32 v32, v52;
	v37 =	vmul.f32 v5, v53;
	v53 =	vld [tilespmem:$0x1FB40]  }
0xff: {  	v38 =	vadd.f32 v47, v45;
	v52 =	vadd.f32 v56, v55;
	v47 =	vmul.f32 v6, v54;
	v54 =	vld [tilespmem:$0x1FB50]  }
0x100: {  	v55 =	vadd.f32 v40, v39;
	v48 =	vadd.f32 v50, v48;
	v50 =	vld [tilespmem:$0x1FA90]  }
0x101: {  	v56 =	vadd.f32 v44, v42;
	v44 =	vadd.f32 v52, v51;
	v51 =	vld [tilespmem:$0x1FAA0]  }
0x102: {  	v52 =	vld [tilespmem:$0x1FAB0]  }
0x103: {  	v35 =	vadd.f32 v55, v35;
	v55 =	vld [tilespmem:$0x1FAE0]  }
0x104: {  	v37 =	vadd.f32 v47, v37;
	v47 =	vld [tilespmem:$0x1FC00]  }
0x105: {  	v42 =	vmul.f32 v1, v49;
	v49 =	vld [tilespmem:$0x1FB00]  }
0x106: {  	v39 =	vadd.f32 v48, v56;
	v56 =	vld [tilespmem:$0x1FAF0]  }
0x107: {  	v43 =	vmul.f32 v2, v50;
	v50 =	vld [tilespmem:$0x1FB10]  }
0x108: {  	v33 =	vadd.f32 v33, v34;
	v34 =	vadd.f32 v38, v36;
	v40 =	vmul.f32 v7, v55;
	v55 =	vld [tilespmem:$0x1FB60]  }
0x109: {  	v41 =	vadd.f32 v44, v41;
	v35 =	vadd.f32 v39, v35;
	v45 =	vmul.f32 v3, v51;
	v51 =	vld [tilespmem:$0x1FB20]  }
0x10a: {  	v46 =	vmul.f32 v4, v52;
	v52 =	vld [tilespmem:$0x1FB30]  }
0x10b: {  	v33 =	vadd.f32 v34, v33;
	v34 =	vadd.f32 v35, v41;
	v41 =	vld [tilespmem:$0x1FBA0]  }
0x10c: {  	v48 =	vmul.f32 v8, v56;
	v56 =	vld [tilespmem:$0x1FB70]  }
0x10d: {  	v39 =	vmul.f32 v15, v55;
	v55 =	vld [tilespmem:$0x1FB80]  }
0x10e: {  	v42 =	vadd.f32 v43, v42;
	v43 =	vld [tilespmem:$0x1FBE0]  }
0x10f: {  	v44 =	vmul.f32 v13, v53;
	v45 =	vadd.f32 v46, v45;
	v46 =	vld [tilespmem:$0x1FBF0]  }
0x110: {  	v49 =	vmul.f32 v9, v49;
	v40 =	vadd.f32 v48, v40;
	v48 =	vld [tilespmem:$0x1FC10];
	v50 =	vmul.f32 v10, v50  }
0x111: {  	v38 =	vmul.f32 v12, v52;
	v52 =	vmul.f32 v16, v56;
	v56 =	vld [tilespmem:$0x1FB90]  }
0x112: {  	v36 =	vmul.f32 v11, v51;
	v53 =	vmul.f32 v17, v55;
	v55 =	vld [tilespmem:$0x1FBB0]  }
0x113: {  	v51 =	vmul.f32 v14, v54;
	v49 =	vadd.f32 v50, v49;
	v50 =	vld [tilespmem:$0x1FC20]  }
0x114: {  	v36 =	vadd.f32 v38, v36;
	v38 =	vld [tilespmem:$0x1FC30]  }
0x115: {  	v44 =	vadd.f32 v51, v44;
	v51 =	vld [tilespmem:$0x1FC40]  }
0x116: {  	v54 =	vmul.f32 v18, v56;
	v56 =	vld [tilespmem:$0x1FBD0]  }
0x117: {  	v35 =	vmul.f32 v19, v41;
	v41 =	vmul.f32 v20, v55;
	v55 =	vld [tilespmem:$0x1FBC0]  }
0x118: {  	v39 =	vadd.f32 v52, v39;
	v52 =	vld [tilespmem:$0x1FC50]  }
0x119: {  	v47 =	vmul.f32 v25, v47;
	v43 =	vmul.f32 v23, v43;
	v53 =	vadd.f32 v54, v53;
	v54 =	vld [tilespmem:$0x1FC60]  }
0x11a: {  	v46 =	vmul.f32 v24, v46;
	v48 =	vmul.f32 v26, v48;
	v35 =	vadd.f32 v41, v35;
	v41 =	vld [tilespmem:$0x1FC70]  }
0x11b: {  	v50 =	vmul.f32 v27, v50;
	v38 =	vmul.f32 v28, v38  }
0x11c: {  	v56 =	vmul.f32 v22, v56;
	v55 =	vmul.f32 v21, v55  }
0x11d: {  	v51 =	vmul.f32 v29, v51;
	v52 =	vmul.f32 v30, v52  }
0x11e: {  	v54 =	vmul.f32 v31, v54;
	v35 =	vadd.f32 v35, v53;
	v53 =	vld [tilespmem:$0x1FCA0];
	v55 =	vadd.f32 v56, v55  }
0x11f: {  	v41 =	vmul.f32 v32, v41;
	v56 =	vadd.f32 v48, v47;
	v47 =	vadd.f32 v52, v51;
	v51 =	vld [tilespmem:$0x1FC80]  }
0x120: {  	v43 =	vadd.f32 v46, v43;
	v52 =	vld [tilespmem:$0x1FC90]  }
0x121: {  	v38 =	vadd.f32 v38, v50;
	v41 =	vadd.f32 v41, v54;
	v54 =	vld [tilespmem:$0x1FCB0]  }
0x122: {  	v43 =	vadd.f32 v43, v55;
	v55 =	vld [tilespmem:$0x1FCC0]  }
0x123: {  	v38 =	vadd.f32 v38, v56;
	v56 =	vld [tilespmem:$0x1FCD0]  }
0x124: {  	v42 =	vadd.f32 v45, v42;
	v45 =	vmul.f32 v3, v53;
	v53 =	vld [tilespmem:$0x1FD00]  }
0x125: {  	v37 =	vadd.f32 v40, v37;
	v40 =	vmul.f32 v1, v51;
	v51 =	vld [tilespmem:$0x1FCE0]  }
0x126: {  	v39 =	vadd.f32 v39, v44;
	v44 =	vmul.f32 v2, v52;
	v52 =	vld [tilespmem:$0x1FCF0]  }
0x127: {  	v46 =	vmul.f32 v5, v55;
	v55 =	vld [tilespmem:$0x1FD20]  }
0x128: {  	v36 =	vadd.f32 v36, v49;
	v49 =	vmul.f32 v6, v56;
	v56 =	vld [tilespmem:$0x1FD30]  }
0x129: {  	v48 =	vmul.f32 v4, v54;
	v54 =	vld [tilespmem:$0x1FD10]  }
0x12a: {  	v40 =	vadd.f32 v44, v40;
	v44 =	vld [tilespmem:$0x1FDC0]  }
0x12b: {  	v45 =	vadd.f32 v48, v45;
	v48 =	vld [tilespmem:$0x1FDD0]  }
0x12c: {  	v36 =	vadd.f32 v39, v36;
	v39 =	vmul.f32 v11, v55;
	v55 =	vld [tilespmem:$0x1FD40]  }
0x12d: {  	v50 =	vmul.f32 v8, v52;
	v52 =	vmul.f32 v12, v56;
	v56 =	vld [tilespmem:$0x1FD50]  }
0x12e: {  	v41 =	vadd.f32 v41, v47;
	v46 =	vadd.f32 v49, v46;
	v49 =	vld [tilespmem:$0x1FDE0];
	v47 =	vmul.f32 v7, v51  }
0x12f: {  	v51 =	vmul.f32 v10, v54;
	v54 =	vld [tilespmem:$0x1FD60]  }
0x130: {  	v37 =	vadd.f32 v37, v42;
	v47 =	vadd.f32 v50, v47;
	v50 =	vld [tilespmem:$0x1FDF0]  }
0x131: {  	v35 =	vadd.f32 v43, v35;
	v42 =	vmul.f32 v9, v53;
	v43 =	vmul.f32 v13, v55;
	v55 =	vld [tilespmem:$0x1FD80]  }
0x132: {  	v53 =	vmul.f32 v14, v56;
	v56 =	vld [tilespmem:$0x1FDA0]  }
0x133: {  	v42 =	vadd.f32 v51, v42;
	v51 =	vld [tilespmem:$0x1FE00]  }
0x134: {  	v38 =	vadd.f32 v41, v38;
	v41 =	vmul.f32 v15, v54;
	v54 =	vld [tilespmem:$0x1FD70]  }
0x135: {  	v44 =	vmul.f32 v21, v44;
	v48 =	vmul.f32 v22, v48;
	v39 =	vadd.f32 v52, v39;
	v52 =	vld [tilespmem:$0x1FE10]  }
0x136: {  	v36 =	vadd.f32 v36, v37;
	v49 =	vmul.f32 v23, v49;
	v37 =	vmul.f32 v17, v55;
	v55 =	vld [tilespmem:$0x1FD90]  }
0x137: {  	v35 =	vadd.f32 v38, v35;
	v50 =	vmul.f32 v24, v50;
	v38 =	vmul.f32 v19, v56;
	v56 =	vld [tilespmem:$0x1FDB0]  }
0x138: {  	v44 =	vadd.f32 v48, v44;
	v48 =	vld [tilespmem:$0x1FE60]  }
0x139: {  	v49 =	vadd.f32 v50, v49;
	v50 =	vld [tilespmem:$0x1FE70];
	v54 =	vmul.f32 v16, v54  }
0x13a: {  	v43 =	vadd.f32 v53, v43;
	v53 =	vld [tilespmem:$0x1FE20]  }
0x13b: {  	v41 =	vadd.f32 v54, v41;
	v54 =	vld [tilespmem:$0x1FE30];
	v55 =	vmul.f32 v18, v55  }
0x13c: {  	v40 =	vadd.f32 v45, v40;
	v56 =	vmul.f32 v20, v56  }
0x13d: {  	v51 =	vmul.f32 v25, v51;
	v52 =	vmul.f32 v26, v52;
	v37 =	vadd.f32 v55, v37;
	v55 =	vld [tilespmem:$0x1FE40]  }
0x13e: {  	v48 =	vmul.f32 v31, v48;
	v50 =	vmul.f32 v32, v50;
	v38 =	vadd.f32 v56, v38;
	v56 =	vld [tilespmem:$0x1FE50]  }
0x13f: {  	v39 =	vadd.f32 v39, v42;
	v51 =	vadd.f32 v52, v51  }
0x140: {  	v45 =	vld [tilespmem:$0x1FF90];
	v53 =	vmul.f32 v27, v53;
	v48 =	vadd.f32 v50, v48;
	v54 =	vmul.f32 v28, v54  }
0x141: {  	v42 =	vld [tilespmem:$0x1FF60];
	v41 =	vadd.f32 v41, v43;
	v50 =	vadd.f32 v49, v44  }
0x142: {  	v49 =	vld [tilespmem:$0x1FEB0];
	v52 =	vadd.f32 v54, v53;
	v37 =	vadd.f32 v38, v37  }
0x143: {  	v39 =	vadd.f32 v41, v39;
	v41 =	vld [tilespmem:$0x1FF50];
	v55 =	vmul.f32 v29, v55;
	v56 =	vmul.f32 v30, v56  }
0x144: {  	v52 =	vadd.f32 v52, v51;
	v37 =	vadd.f32 v50, v37;
	v50 =	vld [tilespmem:$0x1FEC0]  }
0x145: {  	v51 =	vld [tilespmem:$0x1FED0];
	v53 =	vadd.f32 v56, v55;
	v56 =	vadd.f32 v47, v46  }
0x146: {  	v55 =	vld [tilespmem:$0x1FE80]  }
0x147: {  	v40 =	vadd.f32 v56, v40;
	v56 =	vld [tilespmem:$0x1FE90]  }
0x148: {  	v47 =	vld [tilespmem:$0x1FFB0]  }
0x149: {  	v54 =	vadd.f32 v48, v53;
	v48 =	vld [tilespmem:$0x1FEA0]  }
0x14a: {  	v53 =	vld [tilespmem:$0x1FEF0]  }
0x14b: {  	v38 =	vadd.f32 v54, v52;
	v52 =	vld [tilespmem:$0x1FEE0]  }
0x14c: {  	v1 =	vmul.f32 v1, v55;
	v55 =	vld [tilespmem:$0x1FF20];
	v2 =	vmul.f32 v2, v56  }
0x14d: {  	v4 =	vmul.f32 v4, v49;
	v5 =	vmul.f32 v5, v50;
	v54 =	vld [tilespmem:$0x1FF10]  }
0x14e: {  	v6 =	vmul.f32 v6, v51;
	v3 =	vmul.f32 v3, v48;
	v1 =	vadd.f32 v2, v1;
	v2 =	vld [tilespmem:$0x1FF00]  }
0x14f: {  	v8 =	vmul.f32 v8, v53;
	v56 =	vld [tilespmem:$0x1FF30];
	v53 =	vmul.f32 v26, v58  }
0x150: {  	v49 =	vld [tilespmem:$0x1FFD0];
	v26 =	vmul.f32 v32, v0;
	v7 =	vmul.f32 v7, v52  }
0x151: {  	v46 =	vld [tilespmem:$0x1FFA0];
	v3 =	vadd.f32 v4, v3;
	v52 =	vmul.f32 v25, v57;
	v4 =	vmul.f32 v11, v55  }
0x152: {  	v43 =	vld [tilespmem:$0x1FF70];
	v11 =	vmul.f32 v14, v41;
	v14 =	vmul.f32 v20, v47  }
0x153: {  	v44 =	vld [tilespmem:$0x1FF80];
	v55 =	vmul.f32 v28, v60;
	v2 =	vmul.f32 v9, v2  }
0x154: {  	v5 =	vadd.f32 v6, v5;
	v9 =	vmul.f32 v10, v54;
	v10 =	vmul.f32 v12, v56;
	v12 =	vld [tilespmem:$0x1FF40]  }
0x155: {  	v51 =	vld [tilespmem:$0x1FFF0];
	v7 =	vadd.f32 v8, v7;
	v8 =	vmul.f32 v15, v42;
	v15 =	vmul.f32 v22, v49  }
0x156: {  	v48 =	vld [tilespmem:$0x1FFC0];
	v1 =	vadd.f32 v3, v1;
	v4 =	vadd.f32 v10, v4;
	v10 =	vmul.f32 v19, v46  }
0x157: {  	v50 =	vld [tilespmem:$0x1FFE0];
	v3 =	vadd.f32 v7, v5;
	v54 =	vmul.f32 v27, v59;
	v56 =	vmul.f32 v29, v61  }
0x158: {  	v2 =	vadd.f32 v9, v2;
	v9 =	vmul.f32 v17, v44;
	v10 =	vadd.f32 v14, v10  }
0x159: {  	v14 =	vadd.f32 v55, v54;
	v6 =	vmul.f32 v13, v12;
	v12 =	vmul.f32 v16, v43  }
0x15a: {  	v2 =	vadd.f32 v4, v2;
	v13 =	vmul.f32 v18, v45;
	v16 =	vmul.f32 v24, v51  }
0x15b: {  	v24 =	vmul.f32 v30, v62;
	v6 =	vadd.f32 v11, v6;
	v11 =	vmul.f32 v21, v48  }
0x15c: {  	v8 =	vadd.f32 v12, v8;
	v12 =	vmul.f32 v23, v50;
	v9 =	vadd.f32 v13, v9  }
0x15d: {  	v25 =	vmul.f32 v31, v63;
	v13 =	vadd.f32 v53, v52;
	v11 =	vadd.f32 v15, v11  }
0x15e: {  	v12 =	vadd.f32 v16, v12;
	v15 =	vadd.f32 v24, v56  }
0x15f: {  	v16 =	vadd.f32 v26, v25;
	v27 =	vadd.f32 v8, v6  }
0x160: {  	v28 =	vadd.f32 v10, v9;
	v30 =	vadd.f32 v14, v13  }
0x161: {  	v29 =	vadd.f32 v12, v11;
	v31 =	vadd.f32 v16, v15  }
0x162: {  	v1 =	vadd.f32 v3, v1;
	v2 =	vadd.f32 v27, v2  }
0x163: {  	v3 =	vadd.f32 v29, v28;
	v32 =	vadd.f32 v31, v30  }
0x164: {  	v39 =	vadd.f32 v39, v40;
	v40 =	vadd.f32 v38, v37  }
0x165: {  	v1 =	vadd.f32 v2, v1;
	v2 =	vadd.f32 v32, v3  }
0x166: {  	v41 =	vadd.f32 v35, v36;
	v5 =	vadd.f32 v40, v39  }
0x167: {  	v3 =	vadd.f32 v34, v33;
	v1 =	vadd.f32 v2, v1;
	_ =	sdelay $0x1  }
0x168: {  	v2 =	vmax.f32 v3, v41;
	v6 =	vmax.f32 v5, v1  }
0x169: {  	v2 =	vmax.f32 v2, v6  }
0x16a: {  	v6 =	vsub.f32 v3, v2  }
0x16b: {  	v42 =	vsub.f32 v41, v2  }
0x16c: {  	v43 =	vsub.f32 v5, v2;
	v6 =	vmul.f32 $1.442695020e+00, v6  }
0x16d: {  	v2 =	vsub.f32 v1, v2;
	v7 =	vmul.f32 $1.442695020e+00, v42  }
0x16e: {  	v44 =	vmul.f32 $1.442695020e+00, v43;
	(erf) = vpow2.f32 v6  }
0x16f: {  	v2 =	vmul.f32 $1.442695020e+00, v2;
	(erf) = vpow2.f32 v7  }
0x170: {  	(erf) = vpow2.f32 v44  }
0x171: {  	(erf) = vpow2.f32 v2;
	_ =	sdelay $0x5  }
0x172: {  	v2 =	vpop (erf)  }
0x173: {  	v45 =	vpop (erf)  }
0x174: {  	v46 =	vpop (erf)  }
0x175: {  	v47 =	vpop (erf)  }
0x176: {  	v48 =	vadd.f32 v45, v2;
	v49 =	vadd.f32 v47, v46  }
0x177: {  	vm1 =	vgt.f32 v41, v3  }
0x178: {  	v50 =	vsel vm1, v41, v3;
	v9 =	vadd.f32 v49, v48  }
0x179: {  	vm2 =	vgt.f32 v5, v50  }
0x17a: {  	v52 =	vimm.s32 $0x0;
	v51 =	vsel vm2, v5, v50;
	(erf) = vrcp.f32 v9  }
0x17b: {  	v53 =	vsel vm1, $0x1, v52;
	vm0 =	vgt.f32 v1, v51  }
0x17c: {  	vm3 =	vmneg vm0;
	v9 =	vsel vm2, $0x2, v53  }
0x17d: {  	vm10 =	vlt.f32 v3, $-Inf;
	vm4 =	vgt.f32 v3, $-Inf;
	v9 =	vnsel vm3, $0x3, v9  }
0x17e: {  	vm0 =	vmor vm4, vm10;
	vm11 =	vne.s32 v9, $0x0  }
0x17f: {  	vm4 =	vmand vm0, vm11  }
0x180: {  	v3 =	vnsel vm4, $0xFF800000, v3  }
0x181: {  	vm5 =	vne.s32 v9, $0x1;
	vm12 =	vgt.f32 v41, v3  }
0x182: {  	vm0 =	vmand vm5, vm12  }
0x183: {  	v3 =	vsel vm0, v41, v3;
	v54 =	vpop (erf)  }
0x184: {  	vm6 =	vne.s32 v9, $0x2;
	vm13 =	vgt.f32 v5, v3;
	v2 =	vmul.f32 v54, v2  }
0x185: {  	vm5 =	vmand vm6, vm13;
	v6 =	vmul.f32 v54, v45;
	v7 =	vmul.f32 v54, v46  }
0x186: {  	v4 =	vmul.f32 v54, v47;
	v3 =	vsel vm5, v5, v3;
	v55 =	vnsel vm4, $0x0, v2  }
0x187: {  	vm14 =	vgt.f32 v1, v3;
	v1 =	vsel vm1, v6, v2;
	v3 =	vsel vm0, v6, v55  }
0x188: {  	vm15 =	vmand vm3, vm14;
	v1 =	vsel vm2, v7, v1;
	v3 =	vsel vm5, v7, v3  }
0x189: {  	v1 =	vsel vm3, v1, v4;
	v3 =	vsel vm15, v4, v3  }
0x18a: {  	v56 =	vadd.f32 v3, v1;
	_ =	sdelay $0x1  }
0x18b: {  	(erf) = vrcp.f32 v56;
	_ =	sdelay $0x4  }
0x18c: {  	s31 =	sshll.u32 s18, $0x6  }
0x18d: {  	s20 =	sand.u32 $0x3FFFFE00, s31  }
0x18e: {  	s20 =	sor.u32 s19, s20  }
0x18f: {  	[tilespmem:s20+$0x8200] =	vst v2  }
0x190: {  	s21 =	sshll.u32 s18, $0x5;
	[tilespmem:s20+$0x8280] =	vst v6;
	v2 =	vpop (erf)  }
0x191: {  	p0 =	sne.s32 s18, $0x3F;
	s21 =	sand.u32 $0xFFFFFF00, s21;
	[tilespmem:s20+$0x8300] =	vst v7;
	v1 =	vmul.f32 v2, v1  }
.Ltmp0:
0x192: {  	s19 =	sor.u32 s19, s21;
	[tilespmem:s20+$0x8380] =	vst v4;
	(pc) =	sbr.rel @p0 .LBB2_2-.Ltmp0, $4  }
0x193: {  	v2 =	vmul.f32 v2, v3;
	[tilespmem:s19+$0x9200] =	vst v1;
	v1 =	vsel vm0, $0x1, v52  }
0x194: {  	[tilespmem:s19+$0x9A00] =	vst v9;
	v1 =	vsel vm5, $0x2, v1  }
0x195: {  	[tilespmem:s19+$0x9280] =	vst v2;
	v1 =	vsel vm15, $0x3, v1  }
0x196: {  	s17 =	sadd.s32 $0x10, s17;
	s18 =	sadd.s32 $0x1, s18;
	[tilespmem:s19+$0x9A80] =	vst v1  }
0x197: {  	[hbm4b:s5+s3] =	stream.linear.scatter [tilespmem:s13], [sflag:$0x1], $0x1000, $0x38;
	[tilespmem:$0xA200] =	vst v63  }
0x198: {  	_ =	swait.ge [sflag:s10], $0x1000  }
0x199: {  	[sflag:s10] =	ssyncset.done $0x0  }
0x19a: {  	[sflag:s10] =	ssyncadd.s32 $0xFFFFF000  }
0x19b: {  	[hbm4b:s6+s3] =	stream.linear.scatter [tilespmem:s14], [sflag:$0x1], $0x800, $0x38;
	[tilespmem:$0xA200] =	vst v63  }
0x19c: {  	s16 =	sadd.s32 $0x1, s16;
	_ =	swait.ge [sflag:s10], $0x800  }
0x19d: {  	p0 =	sne.s32 s16, s8;
	[sflag:s10] =	ssyncset.done $0x0  }
.Ltmp1:
0x19e: {  	[sflag:s10] =	ssyncadd.s32 $0xFFFFF800;
	(pc) =	sbr.rel @p0 .LBB2_1-.Ltmp1, $4  }
0x19f: {  	[hbm4b:s7+s3] =	stream.linear.scatter [tilespmem:s15], [sflag:$0x1], $0x800, $0x38;
	[tilespmem:$0xA200] =	vst v63  }
0x1a0: {  	_ =	swait.ge [sflag:s10], $0x800  }
0x1a1: {  	[sflag:s10] =	ssyncset.done $0x0  }
0x1a2: {  	[sflag:s10] =	ssyncadd.s32 $0xFFFFF800  }
0x1a3: {  	_ =	sfence.sel $0x180000  }
0x1a4: {  	[bflag:$0x0] =	sbarrier.arrive $0xFFFF  }
0x1a5: {  	p0 =	sne.s32 s2, $0x0;
	_ =	strace $0x90000047  }
0x1a6: {  	s0 =	sadd.s32 @!p0 $0x100000, s0;
	[bflag:$0x2] =	sbarrier.arrive $0xFFFF  }
0x1a7: {  	[sflag:s0] =	ssyncadd.tile.s32 @!p0 $0x1;
	_ =	shalt  }
.Lfunc_end2:
_tile_overlayer_lowered:
.L_overlay_start_2:
0x1a8: {  	(tag) =	ssettag $0x2  }
0x1a9: {  	s0 =	rddreg [dreg:$0x0];
	s2 =	stileid.u32  }
0x1aa: {  	s1 =	rddreg [dreg:$0x1];
	p0 =	sne.s32 s2, $0x0  }
0x1ab: {  	s3 =	rddreg [dreg:$0x2];
	[bflag:$0x3] =	sbarrier.arrive $0xFFFF;
	s2 =	simm.s32 @!p0 $0x1C01  }
0x1ac: {  	[timem:s3], [sflag:s2] =	dma.local @!p0 [hbm:s0], s1  }
0x1ad: {  	s0 =	simm.s32 @!p0 $0x1  }
0x1ae: {  	_ =	swait.ge @!p0 [sflag:s0], s1  }
0x1af: {  	s1 =	ssub.s32 @!p0 $0x0, s1;
	[sflag:s0] =	ssyncset.done @!p0 $0x0  }
0x1b0: {  	[sflag:s0] =	ssyncadd.s32 @!p0 s1  }
0x1b1: {  	[bflag:$0x3] =	sbarrier.arrive $0xFFFF  }
0x1b2: {  	_ =	shalt  }

</sc_bundles>
